<compile_context>
chip_gen: v7x
topology: tpu7x:2x2x1
jax: 0.10.2.dev20260603
libtpu: 0.0.44.dev20260713+nightly
codegen_flags: <defaults>
</compile_context>

<pallas_src>
import functools

import jax
import jax.numpy as jnp
from jax import lax
from jax.experimental import pallas as pl
from jax.experimental.pallas import tpu as pltpu
from jax.experimental.pallas import tpu_sc as plsc

N_NODES = 50000
N_EDGES = 800000
F_IN = 58

NC = 2
NS = 16
NW = NC * NS
L = 16

CHUNK = 128
NPAD = 50176
RPT = NPAD // NS
EPW = 25088
EPAD = EPW * NW
NCH = EPW // CHUNK
GSZ = 28
ZW = 8
NGRP = NCH // GSZ

_sc_mesh = plsc.VectorSubcoreMesh(core_axis_name="c", subcore_axis_name="s")


def _worker_id():
    return lax.axis_index("c") * NS + lax.axis_index("s")


@functools.partial(
    pl.kernel,
    out_type=jax.ShapeDtypeStruct((NC, NPAD), jnp.float32),
    mesh=_sc_mesh,
    compiler_params=pltpu.CompilerParams(use_tc_tiling_on_sc=False),
    scratch_types=[
        pltpu.VMEM((NCH, CHUNK), jnp.int32),
        pltpu.VMEM((CHUNK,), jnp.float32),
        pltpu.VMEM_SHARED((NPAD,), jnp.float32),
    ],
)
def _sc_degree(col_hbm, zeros_hbm, out_hbm, cidx, ones_v, deg_sh):
    c = lax.axis_index("c")
    s = lax.axis_index("s")
    wid = _worker_id()
    pltpu.sync_copy(zeros_hbm.at[pl.ds(s * RPT, RPT)], deg_sh.at[pl.ds(s * RPT, RPT)])

    def onesb(i, _):
        ones_v[pl.ds(i * L, L)] = jnp.ones((L,), jnp.float32)
        return 0
    lax.fori_loop(0, CHUNK // L, onesb, 0)
    pltpu.sync_copy(col_hbm.at[wid], cidx)
    plsc.subcore_barrier()

    def body(j, _):
        pltpu.sync_copy(ones_v, deg_sh.at[cidx.at[j]], add=True)
        return 0
    lax.fori_loop(0, NCH, body, 0)
    plsc.subcore_barrier()
    pltpu.sync_copy(deg_sh.at[pl.ds(s * RPT, RPT)], out_hbm.at[c, pl.ds(s * RPT, RPT)])


@functools.partial(
    pl.kernel,
    out_type=jax.ShapeDtypeStruct((NC, NPAD, 32), jnp.float32),
    mesh=_sc_mesh,
    compiler_params=pltpu.CompilerParams(use_tc_tiling_on_sc=False),
    scratch_types=[
        pltpu.VMEM((GSZ, CHUNK), jnp.int32),
        pltpu.VMEM((GSZ, CHUNK), jnp.int32),
        pltpu.VMEM((CHUNK, 32), jnp.float32),
        pltpu.VMEM((CHUNK, 32), jnp.float32),
        pltpu.VMEM((CHUNK, 32), jnp.float32),
        pltpu.VMEM((CHUNK, 32), jnp.float32),
        pltpu.SemaphoreType.DMA,
        pltpu.SemaphoreType.DMA,
        pltpu.SemaphoreType.DMA,
        pltpu.SemaphoreType.DMA,
        pltpu.VMEM_SHARED((NPAD, 32), jnp.float32),
    ],
)
def _sc_pass1(row_hbm, col_hbm, tab_hbm, zeros_hbm, out_hbm,
              ridx, cidx, data0, data1, data2, data3,
              sem0, sem1, sem2, sem3, acc_sh):
    c = lax.axis_index("c")
    s = lax.axis_index("s")
    wid = _worker_id()
    pltpu.sync_copy(zeros_hbm.at[pl.ds(s * RPT, RPT)], acc_sh.at[pl.ds(s * RPT, RPT)])
    plsc.subcore_barrier()

    def grp(gi, _):
        pltpu.sync_copy(row_hbm.at[wid, pl.ds(gi * GSZ, GSZ)], ridx)
        pltpu.sync_copy(col_hbm.at[wid, pl.ds(gi * GSZ, GSZ)], cidx)

        def body(j, _):
            cp0 = pltpu.async_copy(tab_hbm.at[ridx.at[4 * j]], data0, sem0)
            cp1 = pltpu.async_copy(tab_hbm.at[ridx.at[4 * j + 1]], data1, sem1)
            cp2 = pltpu.async_copy(tab_hbm.at[ridx.at[4 * j + 2]], data2, sem2)
            cp3 = pltpu.async_copy(tab_hbm.at[ridx.at[4 * j + 3]], data3, sem3)
            cp0.wait()
            pltpu.sync_copy(data0, acc_sh.at[cidx.at[4 * j]], add=True)
            cp1.wait()
            pltpu.sync_copy(data1, acc_sh.at[cidx.at[4 * j + 1]], add=True)
            cp2.wait()
            pltpu.sync_copy(data2, acc_sh.at[cidx.at[4 * j + 2]], add=True)
            cp3.wait()
            pltpu.sync_copy(data3, acc_sh.at[cidx.at[4 * j + 3]], add=True)
            return 0
        lax.fori_loop(0, GSZ // 4, body, 0)
        return 0
    lax.fori_loop(0, NGRP, grp, 0)
    plsc.subcore_barrier()
    pltpu.sync_copy(acc_sh.at[pl.ds(s * RPT, RPT)],
                    out_hbm.at[c, pl.ds(s * RPT, RPT), :])


@functools.partial(
    pl.kernel,
    out_type=jax.ShapeDtypeStruct((NC, NPAD, ZW), jnp.float32),
    mesh=_sc_mesh,
    compiler_params=pltpu.CompilerParams(use_tc_tiling_on_sc=False),
    scratch_types=[
        pltpu.VMEM((NCH, CHUNK), jnp.int32),
        pltpu.VMEM((NCH, CHUNK), jnp.int32),
        pltpu.VMEM((CHUNK, ZW), jnp.float32),
        pltpu.VMEM((CHUNK, ZW), jnp.float32),
        pltpu.VMEM((CHUNK, ZW), jnp.float32),
        pltpu.VMEM((CHUNK, ZW), jnp.float32),
        pltpu.SemaphoreType.DMA,
        pltpu.SemaphoreType.DMA,
        pltpu.SemaphoreType.DMA,
        pltpu.SemaphoreType.DMA,
        pltpu.VMEM_SHARED((NPAD, ZW), jnp.float32),
    ],
)
def _sc_pass2(row_hbm, col_hbm, z_hbm, zeros_hbm, out_hbm,
              ridx, cidx, d0, d1, d2, d3, sem0, sem1, sem2, sem3, g_sh):
    c = lax.axis_index("c")
    s = lax.axis_index("s")
    wid = _worker_id()
    pltpu.sync_copy(zeros_hbm.at[pl.ds(s * RPT, RPT)], g_sh.at[pl.ds(s * RPT, RPT)])
    pltpu.sync_copy(row_hbm.at[wid], ridx)
    pltpu.sync_copy(col_hbm.at[wid], cidx)
    plsc.subcore_barrier()

    def body(j, _):
        cp0 = pltpu.async_copy(z_hbm.at[ridx.at[4 * j]], d0, sem0)
        cp1 = pltpu.async_copy(z_hbm.at[ridx.at[4 * j + 1]], d1, sem1)
        cp2 = pltpu.async_copy(z_hbm.at[ridx.at[4 * j + 2]], d2, sem2)
        cp3 = pltpu.async_copy(z_hbm.at[ridx.at[4 * j + 3]], d3, sem3)
        cp0.wait()
        pltpu.sync_copy(d0, g_sh.at[cidx.at[4 * j]], add=True)
        cp1.wait()
        pltpu.sync_copy(d1, g_sh.at[cidx.at[4 * j + 1]], add=True)
        cp2.wait()
        pltpu.sync_copy(d2, g_sh.at[cidx.at[4 * j + 2]], add=True)
        cp3.wait()
        pltpu.sync_copy(d3, g_sh.at[cidx.at[4 * j + 3]], add=True)
        return 0
    lax.fori_loop(0, NCH // 4, body, 0)
    plsc.subcore_barrier()
    pltpu.sync_copy(g_sh.at[pl.ds(s * RPT, RPT)],
                    out_hbm.at[c, pl.ds(s * RPT, RPT), :])


_BLK = RPT
_GRID = NPAD // _BLK


def _tc_a_body(x_ref, w_ref, o_ref):
    o_ref[...] = jnp.dot(x_ref[...], w_ref[...],
                         preferred_element_type=jnp.float32)


def _tc_a(x_p, w_cat):
    return pl.pallas_call(
        _tc_a_body,
        grid=(_GRID,),
        in_specs=[pl.BlockSpec((_BLK, F_IN), lambda i: (i, 0)),
                  pl.BlockSpec((F_IN, 64), lambda i: (0, 0))],
        out_specs=pl.BlockSpec((_BLK, 64), lambda i: (i, 0)),
        out_shape=jax.ShapeDtypeStruct((NPAD, 64), jnp.float32),
    )(x_p, w_cat)


def _dinv_from(degp_ref):
    deg = degp_ref[0, :, 0] + degp_ref[1, :, 0]
    return jnp.where(deg > 0, lax.rsqrt(jnp.maximum(deg, 1e-12)), 0.0)


def _tc_b_body(p_ref, degp_ref, hs_ref):
    dinv = _dinv_from(degp_ref)
    hs_ref[...] = p_ref[:, :32] * dinv[:, None]


def _tc_b(p, deg_part):
    return pl.pallas_call(
        _tc_b_body,
        grid=(_GRID,),
        in_specs=[pl.BlockSpec((_BLK, 64), lambda i: (i, 0)),
                  pl.BlockSpec((NC, _BLK, 1), lambda i: (0, i, 0))],
        out_specs=pl.BlockSpec((_BLK, 32), lambda i: (i, 0)),
        out_shape=jax.ShapeDtypeStruct((NPAD, 32), jnp.float32),
    )(p, deg_part)


def _tc_c_body(gp_ref, p_ref, degp_ref, b1_ref, w2_ref,
               z_ref, r2_ref):
    dinv = _dinv_from(degp_ref)
    g = gp_ref[0] + gp_ref[1]
    agg = g * dinv[:, None]
    pre0 = agg[:, :16] + p_ref[:, 32:48] + b1_ref[0, :][None, :]
    pre1 = agg[:, 16:32] + p_ref[:, 48:64] + b1_ref[1, :][None, :]
    h = jax.nn.relu(0.5 * (jax.nn.relu(pre0) + jax.nn.relu(pre1)))
    z = jnp.dot(h, w2_ref[...], preferred_element_type=jnp.float32)
    zs = z[:, 0:2] * dinv[:, None]
    z_ref[...] = jnp.pad(zs, ((0, 0), (0, ZW - 2)))
    r2_ref[...] = z[:, 2:4]


def _tc_c(g_part, p, deg_part, b1, w2_cat):
    return pl.pallas_call(
        _tc_c_body,
        grid=(_GRID,),
        in_specs=[pl.BlockSpec((NC, _BLK, 32), lambda i: (0, i, 0)),
                  pl.BlockSpec((_BLK, 64), lambda i: (i, 0)),
                  pl.BlockSpec((NC, _BLK, 1), lambda i: (0, i, 0)),
                  pl.BlockSpec((2, 16), lambda i: (0, 0)),
                  pl.BlockSpec((16, 4), lambda i: (0, 0))],
        out_specs=[pl.BlockSpec((_BLK, ZW), lambda i: (i, 0)),
                   pl.BlockSpec((_BLK, 2), lambda i: (i, 0))],
        out_shape=[jax.ShapeDtypeStruct((NPAD, ZW), jnp.float32),
                   jax.ShapeDtypeStruct((NPAD, 2), jnp.float32)],
    )(g_part, p, deg_part, b1, w2_cat)


def _tc_d_body(g_ref, degp_ref, r2_ref, b2_ref, o_ref):
    dinv = _dinv_from(degp_ref)
    gsum = g_ref[0] + g_ref[1]
    o0 = jax.nn.relu(dinv * gsum[:, 0] + r2_ref[:, 0] + b2_ref[0, 0])
    o1 = jax.nn.relu(dinv * gsum[:, 1] + r2_ref[:, 1] + b2_ref[1, 0])
    o_ref[...] = (0.5 * (o0 + o1))[:, None]


def _tc_d(g2p, deg_part, r2, b2):
    return pl.pallas_call(
        _tc_d_body,
        grid=(_GRID,),
        in_specs=[pl.BlockSpec((NC, _BLK, ZW), lambda i: (0, i, 0)),
                  pl.BlockSpec((NC, _BLK, 1), lambda i: (0, i, 0)),
                  pl.BlockSpec((_BLK, 2), lambda i: (i, 0)),
                  pl.BlockSpec((2, 1), lambda i: (0, 0))],
        out_specs=pl.BlockSpec((_BLK, 1), lambda i: (i, 0)),
        out_shape=jax.ShapeDtypeStruct((NPAD, 1), jnp.float32),
    )(g2p, deg_part, r2, b2)


def kernel(x, edge_index, W1_init, W1_root, b1, W2_init, W2_root, b2):
    f32 = jnp.float32
    row = edge_index[0].astype(jnp.int32)
    col = edge_index[1].astype(jnp.int32)
    pad_e = jnp.full((EPAD - N_EDGES,), N_NODES, jnp.int32)
    row_r = jnp.concatenate([row, pad_e]).reshape(NW, NCH, CHUNK)
    col_r = jnp.concatenate([col, pad_e]).reshape(NW, NCH, CHUNK)

    x_p = jnp.pad(x.astype(f32), ((0, NPAD - N_NODES), (0, 0)))
    w1_cat = jnp.concatenate(
        [W1_init[0], W1_init[1], W1_root[0], W1_root[1]], axis=1).astype(f32)
    w2_cat = jnp.concatenate(
        [W2_init[0], W2_init[1], W2_root[0], W2_root[1]], axis=1).astype(f32)

    zeros_n = jnp.zeros((NPAD,), f32)
    zeros_nz = jnp.zeros((NPAD, ZW), f32)
    zeros_n32 = jnp.zeros((NPAD, 32), f32)

    p = _tc_a(x_p, w1_cat)
    deg_part = _sc_degree(col_r, zeros_n)
    deg3 = deg_part.reshape(NC, NPAD, 1)
    hs = _tc_b(p, deg3)
    g_part = _sc_pass1(row_r, col_r, hs, zeros_n32)
    z, r2 = _tc_c(g_part, p, deg3, b1.astype(f32), w2_cat)
    g2p = _sc_pass2(row_r, col_r, z, zeros_nz)
    out = _tc_d(g2p, deg3, r2, b2.astype(f32))
    return out[:N_NODES]

# --- scband reference (transcript-rebuilt; emitter-appended) ---
"""Pipeline reference for scband-arma-14491219656874 (READ-ONLY COPY).

The authoritative reference and input builder live on the scoring server;
editing this copy changes nothing except your own understanding.
"""

import jax, jax.numpy as jnp
import numpy as np

N_NODES = 50000
N_EDGES = 800000
F_IN = 58
F_HID = 16
F_OUT = 1
K = 2  # num_stacks


def _arma_conv(x, edge_index, init_w, root_w, bias, num_nodes):
    # PyG ARMAConv with num_stacks=K, num_layers=1, shared_weights=True,
    # eval mode (dropout inactive), act=ReLU, gcn_norm WITHOUT self loops.
    row, col = edge_index[0], edge_index[1]
    ones = jnp.ones(row.shape[0], dtype=x.dtype)
    deg = jax.ops.segment_sum(ones, col, num_segments=num_nodes)
    deg_inv_sqrt = jnp.where(deg > 0, jax.lax.rsqrt(jnp.maximum(deg, 1e-12)), 0.0)
    norm = deg_inv_sqrt[row] * deg_inv_sqrt[col]
    # t=0 transform: [K, N, F_out]
    h = jnp.einsum('nf,kfo->kno', x, init_w)
    # message passing: gather from source, scale, scatter-add to target
    msg = h[:, row, :] * norm[None, :, None]
    agg = jnp.zeros((init_w.shape[0], num_nodes, init_w.shape[2]), dtype=x.dtype)
    agg = agg.at[:, col, :].add(msg)
    # root/skip connection (dropout=0.75 inactive in eval)
    root = jnp.einsum('nf,kfo->kno', x, root_w)
    out = agg + root + bias[:, None, :]
    out = jax.nn.relu(out)
    # mean over stacks
    return jnp.mean(out, axis=0)


def setup_inputs(seed: int = 0) -> dict:
    key = jax.random.key(seed)
    ks = jax.random.split(key, 8)
    x = jax.random.normal(ks[0], (N_NODES, F_IN), dtype=jnp.float32)
    edge_index = jax.random.randint(ks[1], (2, N_EDGES), 0, N_NODES)
    W1_init = jax.random.normal(ks[2], (K, F_IN, F_HID), dtype=jnp.float32) * 0.1
    W1_root = jax.random.normal(ks[3], (K, F_IN, F_HID), dtype=jnp.float32) * 0.1
    b1 = jnp.zeros((K, F_HID), dtype=jnp.float32)
    W2_init = jax.random.normal(ks[4], (K, F_HID, F_OUT), dtype=jnp.float32) * 0.1
    W2_root = jax.random.normal(ks[5], (K, F_HID, F_OUT), dtype=jnp.float32) * 0.1
    b2 = jnp.zeros((K, F_OUT), dtype=jnp.float32)
    return {
        'x': x,
        'edge_index': edge_index,
        'W1_init': W1_init,
        'W1_root': W1_root,
        'b1': b1,
        'W2_init': W2_init,
        'W2_root': W2_root,
        'b2': b2,
    }


def reference(x, edge_index, W1_init, W1_root, b1, W2_init, W2_root, b2):
    h = _arma_conv(x, edge_index, W1_init, W1_root, b1, N_NODES)
    h = jax.nn.relu(h)
    # F.dropout(p=0.5) inactive in eval mode
    out = _arma_conv(h, edge_index, W2_init, W2_root, b2, N_NODES)
    return out

if __name__ == "__main__":
    import jax
    _d = setup_inputs()
    print(jax.jit(kernel)(*tuple(_d.values())))

</pallas_src>

<mosaic_0001>
#map = affine_map<(d0, d1) -> (0, 0, 0)>
#map1 = affine_map<(d0, d1) -> (0, 0)>
module attributes {stable_mosaic.version = 14 : i64} {
  func.func @_sc_pass2(%arg0: i32, %arg1: i32, %arg2: memref<32x196x128xi32, #tpu.memory_space<hbm>>, %arg3: memref<32x196x128xi32, #tpu.memory_space<hbm>>, %arg4: memref<50176x8xf32, #tpu.memory_space<hbm>>, %arg5: memref<50176x8xf32, #tpu.memory_space<hbm>>, %arg6: memref<2x50176x8xf32, #tpu.memory_space<hbm>>, %arg7: memref<196x128xi32, #tpu.memory_space<vmem>>, %arg8: memref<196x128xi32, #tpu.memory_space<vmem>>, %arg9: memref<128x8xf32, #tpu.memory_space<vmem>>, %arg10: memref<128x8xf32, #tpu.memory_space<vmem>>, %arg11: memref<128x8xf32, #tpu.memory_space<vmem>>, %arg12: memref<128x8xf32, #tpu.memory_space<vmem>>, %arg13: memref<!tpu.dma_semaphore, #tpu.memory_space<semaphore_mem>>, %arg14: memref<!tpu.dma_semaphore, #tpu.memory_space<semaphore_mem>>, %arg15: memref<!tpu.dma_semaphore, #tpu.memory_space<semaphore_mem>>, %arg16: memref<!tpu.dma_semaphore, #tpu.memory_space<semaphore_mem>>, %arg17: memref<50176x8xf32, #tpu.memory_space<vmem_shared>>) attributes {dimension_semantics = [#tpu.dimension_semantics<core_parallel>, #tpu.dimension_semantics<subcore_parallel>], iteration_bounds = array<i64: 2, 16>, scalar_prefetch = 0 : i64, scratch_operands = 11 : i64, tpu.core_type = #tpu.core_type<sc_vector_subcore>, window_params = [{transform_indices = #map}, {transform_indices = #map}, {transform_indices = #map1}, {transform_indices = #map1}, {transform_indices = #map}]} {
    %mul3A = arith.constant 16 : i32
    %mul3A_0 = arith.muli %arg0, %mul3A : i32
    %add3A = arith.addi %mul3A_0, %arg1 : i32
    %mul3A_1 = arith.constant 3136 : i32
    %mul3A_2 = arith.muli %arg1, %mul3A_1 : i32
    %mul3A_3 = arith.constant 3136 : i32
    %mul3A_4 = arith.muli %arg1, %mul3A_3 : i32
    "tpu.region"() ({
      %run_scoped3A = tpu.sem_alloc : memref<!tpu.dma_semaphore, #tpu.memory_space<semaphore_mem>>
      %dma_start3A = arith.constant 0 : i32
      %dma_start3A_16 = tpu.memref_slice %arg17[%mul3A_4, %dma_start3A] : memref<50176x8xf32, #tpu.memory_space<vmem_shared>> -> memref<3136x8xf32, #tpu.memory_space<vmem_shared>>
      %dma_start3A_17 = arith.constant 0 : i32
      %dma_start3A_18 = tpu.memref_slice %arg5[%mul3A_2, %dma_start3A_17] : memref<50176x8xf32, #tpu.memory_space<hbm>> -> memref<3136x8xf32, #tpu.memory_space<hbm>>
      tpu.enqueue_dma source(%dma_start3A_18 : memref<3136x8xf32, #tpu.memory_space<hbm>>) target(%dma_start3A_16 : memref<3136x8xf32, #tpu.memory_space<vmem_shared>>) target_semaphore(%run_scoped3A : memref<!tpu.dma_semaphore, #tpu.memory_space<semaphore_mem>>)
      %dma_wait3A = arith.constant 0 : i32
      %dma_wait3A_19 = tpu.memref_slice %arg17[%mul3A_4, %dma_wait3A] : memref<50176x8xf32, #tpu.memory_space<vmem_shared>> -> memref<3136x8xf32, #tpu.memory_space<vmem_shared>>
      %dma_wait3A_20 = arith.constant 0 : i32
      %dma_wait3A_21 = tpu.memref_slice %arg5[%mul3A_2, %dma_wait3A_20] : memref<50176x8xf32, #tpu.memory_space<hbm>> -> memref<3136x8xf32, #tpu.memory_space<hbm>>
      tpu.wait_dma2 semaphore(%run_scoped3A : memref<!tpu.dma_semaphore, #tpu.memory_space<semaphore_mem>>) src(%dma_wait3A_21 : memref<3136x8xf32, #tpu.memory_space<hbm>>) dst(%dma_wait3A_19 : memref<3136x8xf32, #tpu.memory_space<vmem_shared>>)
      tpu.yield
    }) : () -> ()
    "tpu.region"() ({
      %run_scoped3A = tpu.sem_alloc : memref<!tpu.dma_semaphore, #tpu.memory_space<semaphore_mem>>
      %dma_start3A = arith.constant 0 : i32
      %dma_start3A_16 = arith.constant 0 : i32
      %dma_start3A_17 = tpu.memref_slice %arg2[%add3A, %dma_start3A, %dma_start3A_16] : memref<32x196x128xi32, #tpu.memory_space<hbm>> -> memref<1x196x128xi32, #tpu.memory_space<hbm>>
      %dma_start3A_18 = tpu.memref_squeeze %dma_start3A_17 : memref<1x196x128xi32, #tpu.memory_space<hbm>> -> memref<196x128xi32, #tpu.memory_space<hbm>>
      %dma_start3A_19 = arith.constant 0 : i32
      %dma_start3A_20 = arith.constant 0 : i32
      %dma_start3A_21 = tpu.memref_slice %arg2[%add3A, %dma_start3A_19, %dma_start3A_20] : memref<32x196x128xi32, #tpu.memory_space<hbm>> -> memref<1x196x128xi32, #tpu.memory_space<hbm>>
      %dma_start3A_22 = tpu.memref_squeeze %dma_start3A_21 : memref<1x196x128xi32, #tpu.memory_space<hbm>> -> memref<196x128xi32, #tpu.memory_space<hbm>>
      tpu.enqueue_dma source(%dma_start3A_22 : memref<196x128xi32, #tpu.memory_space<hbm>>) target(%arg7 : memref<196x128xi32, #tpu.memory_space<vmem>>) target_semaphore(%run_scoped3A : memref<!tpu.dma_semaphore, #tpu.memory_space<semaphore_mem>>)
      %dma_wait3A = arith.constant 0 : i32
      %dma_wait3A_23 = arith.constant 0 : i32
      %dma_wait3A_24 = tpu.memref_slice %arg2[%add3A, %dma_wait3A, %dma_wait3A_23] : memref<32x196x128xi32, #tpu.memory_space<hbm>> -> memref<1x196x128xi32, #tpu.memory_space<hbm>>
      %dma_wait3A_25 = tpu.memref_squeeze %dma_wait3A_24 : memref<1x196x128xi32, #tpu.memory_space<hbm>> -> memref<196x128xi32, #tpu.memory_space<hbm>>
      %dma_wait3A_26 = arith.constant 0 : i32
      %dma_wait3A_27 = arith.constant 0 : i32
      %dma_wait3A_28 = tpu.memref_slice %arg2[%add3A, %dma_wait3A_26, %dma_wait3A_27] : memref<32x196x128xi32, #tpu.memory_space<hbm>> -> memref<1x196x128xi32, #tpu.memory_space<hbm>>
      %dma_wait3A_29 = tpu.memref_squeeze %dma_wait3A_28 : memref<1x196x128xi32, #tpu.memory_space<hbm>> -> memref<196x128xi32, #tpu.memory_space<hbm>>
      tpu.wait_dma2 semaphore(%run_scoped3A : memref<!tpu.dma_semaphore, #tpu.memory_space<semaphore_mem>>) src(%dma_wait3A_29 : memref<196x128xi32, #tpu.memory_space<hbm>>) dst(%arg7 : memref<196x128xi32, #tpu.memory_space<vmem>>)
      tpu.yield
    }) : () -> ()
    "tpu.region"() ({
      %run_scoped3A = tpu.sem_alloc : memref<!tpu.dma_semaphore, #tpu.memory_space<semaphore_mem>>
      %dma_start3A = arith.constant 0 : i32
      %dma_start3A_16 = arith.constant 0 : i32
      %dma_start3A_17 = tpu.memref_slice %arg3[%add3A, %dma_start3A, %dma_start3A_16] : memref<32x196x128xi32, #tpu.memory_space<hbm>> -> memref<1x196x128xi32, #tpu.memory_space<hbm>>
      %dma_start3A_18 = tpu.memref_squeeze %dma_start3A_17 : memref<1x196x128xi32, #tpu.memory_space<hbm>> -> memref<196x128xi32, #tpu.memory_space<hbm>>
      %dma_start3A_19 = arith.constant 0 : i32
      %dma_start3A_20 = arith.constant 0 : i32
      %dma_start3A_21 = tpu.memref_slice %arg3[%add3A, %dma_start3A_19, %dma_start3A_20] : memref<32x196x128xi32, #tpu.memory_space<hbm>> -> memref<1x196x128xi32, #tpu.memory_space<hbm>>
      %dma_start3A_22 = tpu.memref_squeeze %dma_start3A_21 : memref<1x196x128xi32, #tpu.memory_space<hbm>> -> memref<196x128xi32, #tpu.memory_space<hbm>>
      tpu.enqueue_dma source(%dma_start3A_22 : memref<196x128xi32, #tpu.memory_space<hbm>>) target(%arg8 : memref<196x128xi32, #tpu.memory_space<vmem>>) target_semaphore(%run_scoped3A : memref<!tpu.dma_semaphore, #tpu.memory_space<semaphore_mem>>)
      %dma_wait3A = arith.constant 0 : i32
      %dma_wait3A_23 = arith.constant 0 : i32
      %dma_wait3A_24 = tpu.memref_slice %arg3[%add3A, %dma_wait3A, %dma_wait3A_23] : memref<32x196x128xi32, #tpu.memory_space<hbm>> -> memref<1x196x128xi32, #tpu.memory_space<hbm>>
      %dma_wait3A_25 = tpu.memref_squeeze %dma_wait3A_24 : memref<1x196x128xi32, #tpu.memory_space<hbm>> -> memref<196x128xi32, #tpu.memory_space<hbm>>
      %dma_wait3A_26 = arith.constant 0 : i32
      %dma_wait3A_27 = arith.constant 0 : i32
      %dma_wait3A_28 = tpu.memref_slice %arg3[%add3A, %dma_wait3A_26, %dma_wait3A_27] : memref<32x196x128xi32, #tpu.memory_space<hbm>> -> memref<1x196x128xi32, #tpu.memory_space<hbm>>
      %dma_wait3A_29 = tpu.memref_squeeze %dma_wait3A_28 : memref<1x196x128xi32, #tpu.memory_space<hbm>> -> memref<196x128xi32, #tpu.memory_space<hbm>>
      tpu.wait_dma2 semaphore(%run_scoped3A : memref<!tpu.dma_semaphore, #tpu.memory_space<semaphore_mem>>) src(%dma_wait3A_29 : memref<196x128xi32, #tpu.memory_space<hbm>>) dst(%arg8 : memref<196x128xi32, #tpu.memory_space<vmem>>)
      tpu.yield
    }) : () -> ()
    %barrier3A = arith.constant 0 : index
    tpu.barrier barrier_id(%barrier3A)
    %scan3A = arith.constant 0 : i32
    %scan3A_5 = arith.constant 0 : i32
    %scan3A_6 = arith.constant 49 : i32
    %scan3A_7 = arith.addi %scan3A_5, %scan3A_6 : i32
    %scan3A_8 = arith.constant 1 : i32
    %scan3A_9 = scf.for %scan3A_16 = %scan3A_5 to %scan3A_7 step %scan3A_8 iter_args(%scan3A_17 = %scan3A) -> (i32)  : i32 {
      %mul3A_18 = arith.constant 4 : i32
      %mul3A_19 = arith.muli %mul3A_18, %scan3A_16 : i32
      %dma_start3A = arith.constant 0 : i32
      %dma_start3A_20 = tpu.memref_slice %arg7[%mul3A_19, %dma_start3A] : memref<196x128xi32, #tpu.memory_space<vmem>> -> memref<1x128xi32, #tpu.memory_space<vmem>>
      %dma_start3A_21 = tpu.memref_squeeze %dma_start3A_20 : memref<1x128xi32, #tpu.memory_space<vmem>> -> memref<128xi32, #tpu.memory_space<vmem>>
      %dma_start3A_22 = arith.constant 0 : i32
      %dma_start3A_23 = arith.constant 0 : i32
      %dma_start3A_24 = tpu.memref_slice %arg4[%dma_start3A_22, %dma_start3A_23] : memref<50176x8xf32, #tpu.memory_space<hbm>> -> memref<50176x8xf32, #tpu.memory_space<hbm>>
      tpu.enqueue_indirect_dma source(%dma_start3A_24 : memref<50176x8xf32, #tpu.memory_space<hbm>>) target(%arg9 : memref<128x8xf32, #tpu.memory_space<vmem>>) offsets(%dma_start3A_21 : memref<128xi32, #tpu.memory_space<vmem>>) semaphore(%arg13 : memref<!tpu.dma_semaphore, #tpu.memory_space<semaphore_mem>>)
      %mul3A_25 = arith.constant 4 : i32
      %mul3A_26 = arith.muli %mul3A_25, %scan3A_16 : i32
      %add3A_27 = arith.constant 1 : i32
      %add3A_28 = arith.addi %mul3A_26, %add3A_27 : i32
      %dma_start3A_29 = arith.constant 0 : i32
      %dma_start3A_30 = tpu.memref_slice %arg7[%add3A_28, %dma_start3A_29] : memref<196x128xi32, #tpu.memory_space<vmem>> -> memref<1x128xi32, #tpu.memory_space<vmem>>
      %dma_start3A_31 = tpu.memref_squeeze %dma_start3A_30 : memref<1x128xi32, #tpu.memory_space<vmem>> -> memref<128xi32, #tpu.memory_space<vmem>>
      %dma_start3A_32 = arith.constant 0 : i32
      %dma_start3A_33 = arith.constant 0 : i32
      %dma_start3A_34 = tpu.memref_slice %arg4[%dma_start3A_32, %dma_start3A_33] : memref<50176x8xf32, #tpu.memory_space<hbm>> -> memref<50176x8xf32, #tpu.memory_space<hbm>>
      tpu.enqueue_indirect_dma source(%dma_start3A_34 : memref<50176x8xf32, #tpu.memory_space<hbm>>) target(%arg10 : memref<128x8xf32, #tpu.memory_space<vmem>>) offsets(%dma_start3A_31 : memref<128xi32, #tpu.memory_space<vmem>>) semaphore(%arg14 : memref<!tpu.dma_semaphore, #tpu.memory_space<semaphore_mem>>)
      %mul3A_35 = arith.constant 4 : i32
      %mul3A_36 = arith.muli %mul3A_35, %scan3A_16 : i32
      %add3A_37 = arith.constant 2 : i32
      %add3A_38 = arith.addi %mul3A_36, %add3A_37 : i32
      %dma_start3A_39 = arith.constant 0 : i32
      %dma_start3A_40 = tpu.memref_slice %arg7[%add3A_38, %dma_start3A_39] : memref<196x128xi32, #tpu.memory_space<vmem>> -> memref<1x128xi32, #tpu.memory_space<vmem>>
      %dma_start3A_41 = tpu.memref_squeeze %dma_start3A_40 : memref<1x128xi32, #tpu.memory_space<vmem>> -> memref<128xi32, #tpu.memory_space<vmem>>
      %dma_start3A_42 = arith.constant 0 : i32
      %dma_start3A_43 = arith.constant 0 : i32
      %dma_start3A_44 = tpu.memref_slice %arg4[%dma_start3A_42, %dma_start3A_43] : memref<50176x8xf32, #tpu.memory_space<hbm>> -> memref<50176x8xf32, #tpu.memory_space<hbm>>
      tpu.enqueue_indirect_dma source(%dma_start3A_44 : memref<50176x8xf32, #tpu.memory_space<hbm>>) target(%arg11 : memref<128x8xf32, #tpu.memory_space<vmem>>) offsets(%dma_start3A_41 : memref<128xi32, #tpu.memory_space<vmem>>) semaphore(%arg15 : memref<!tpu.dma_semaphore, #tpu.memory_space<semaphore_mem>>)
      %mul3A_45 = arith.constant 4 : i32
      %mul3A_46 = arith.muli %mul3A_45, %scan3A_16 : i32
      %add3A_47 = arith.constant 3 : i32
      %add3A_48 = arith.addi %mul3A_46, %add3A_47 : i32
      %dma_start3A_49 = arith.constant 0 : i32
      %dma_start3A_50 = tpu.memref_slice %arg7[%add3A_48, %dma_start3A_49] : memref<196x128xi32, #tpu.memory_space<vmem>> -> memref<1x128xi32, #tpu.memory_space<vmem>>
      %dma_start3A_51 = tpu.memref_squeeze %dma_start3A_50 : memref<1x128xi32, #tpu.memory_space<vmem>> -> memref<128xi32, #tpu.memory_space<vmem>>
      %dma_start3A_52 = arith.constant 0 : i32
      %dma_start3A_53 = arith.constant 0 : i32
      %dma_start3A_54 = tpu.memref_slice %arg4[%dma_start3A_52, %dma_start3A_53] : memref<50176x8xf32, #tpu.memory_space<hbm>> -> memref<50176x8xf32, #tpu.memory_space<hbm>>
      tpu.enqueue_indirect_dma source(%dma_start3A_54 : memref<50176x8xf32, #tpu.memory_space<hbm>>) target(%arg12 : memref<128x8xf32, #tpu.memory_space<vmem>>) offsets(%dma_start3A_51 : memref<128xi32, #tpu.memory_space<vmem>>) semaphore(%arg16 : memref<!tpu.dma_semaphore, #tpu.memory_space<semaphore_mem>>)
      %dma_wait3A = arith.constant 0 : i32
      %dma_wait3A_55 = tpu.memref_slice %arg7[%mul3A_19, %dma_wait3A] : memref<196x128xi32, #tpu.memory_space<vmem>> -> memref<1x128xi32, #tpu.memory_space<vmem>>
      %dma_wait3A_56 = tpu.memref_squeeze %dma_wait3A_55 : memref<1x128xi32, #tpu.memory_space<vmem>> -> memref<128xi32, #tpu.memory_space<vmem>>
      %dma_wait3A_57 = arith.constant 0 : i32
      %dma_wait3A_58 = arith.constant 0 : i32
      %dma_wait3A_59 = tpu.memref_slice %arg4[%dma_wait3A_57, %dma_wait3A_58] : memref<50176x8xf32, #tpu.memory_space<hbm>> -> memref<50176x8xf32, #tpu.memory_space<hbm>>
      tpu.wait_indirect_dma semaphore(%arg13 : memref<!tpu.dma_semaphore, #tpu.memory_space<semaphore_mem>>) src(%dma_wait3A_59 : memref<50176x8xf32, #tpu.memory_space<hbm>>) dst(%arg9 : memref<128x8xf32, #tpu.memory_space<vmem>>)
      %mul3A_60 = arith.constant 4 : i32
      %mul3A_61 = arith.muli %mul3A_60, %scan3A_16 : i32
      "tpu.region"() ({
        %run_scoped3A = tpu.sem_alloc : memref<!tpu.dma_semaphore, #tpu.memory_space<semaphore_mem>>
        %dma_start3A_93 = arith.constant 0 : i32
        %dma_start3A_94 = tpu.memref_slice %arg8[%mul3A_61, %dma_start3A_93] : memref<196x128xi32, #tpu.memory_space<vmem>> -> memref<1x128xi32, #tpu.memory_space<vmem>>
        %dma_start3A_95 = tpu.memref_squeeze %dma_start3A_94 : memref<1x128xi32, #tpu.memory_space<vmem>> -> memref<128xi32, #tpu.memory_space<vmem>>
        %dma_start3A_96 = arith.constant 0 : i32
        %dma_start3A_97 = arith.constant 0 : i32
        %dma_start3A_98 = tpu.memref_slice %arg17[%dma_start3A_96, %dma_start3A_97] : memref<50176x8xf32, #tpu.memory_space<vmem_shared>> -> memref<50176x8xf32, #tpu.memory_space<vmem_shared>>
        tpu.enqueue_indirect_dma source(%arg9 : memref<128x8xf32, #tpu.memory_space<vmem>>) target(%dma_start3A_98 : memref<50176x8xf32, #tpu.memory_space<vmem_shared>>) offsets(%dma_start3A_95 : memref<128xi32, #tpu.memory_space<vmem>>) semaphore(%run_scoped3A : memref<!tpu.dma_semaphore, #tpu.memory_space<semaphore_mem>>) {add = true}
        %dma_wait3A_99 = arith.constant 0 : i32
        %dma_wait3A_100 = tpu.memref_slice %arg8[%mul3A_61, %dma_wait3A_99] : memref<196x128xi32, #tpu.memory_space<vmem>> -> memref<1x128xi32, #tpu.memory_space<vmem>>
        %dma_wait3A_101 = tpu.memref_squeeze %dma_wait3A_100 : memref<1x128xi32, #tpu.memory_space<vmem>> -> memref<128xi32, #tpu.memory_space<vmem>>
        %dma_wait3A_102 = arith.constant 0 : i32
        %dma_wait3A_103 = arith.constant 0 : i32
        %dma_wait3A_104 = tpu.memref_slice %arg17[%dma_wait3A_102, %dma_wait3A_103] : memref<50176x8xf32, #tpu.memory_space<vmem_shared>> -> memref<50176x8xf32, #tpu.memory_space<vmem_shared>>
        tpu.wait_indirect_dma semaphore(%run_scoped3A : memref<!tpu.dma_semaphore, #tpu.memory_space<semaphore_mem>>) src(%arg9 : memref<128x8xf32, #tpu.memory_space<vmem>>) dst(%dma_wait3A_104 : memref<50176x8xf32, #tpu.memory_space<vmem_shared>>)
        tpu.yield
      }) : () -> ()
      %dma_wait3A_62 = arith.constant 0 : i32
      %dma_wait3A_63 = tpu.memref_slice %arg7[%add3A_28, %dma_wait3A_62] : memref<196x128xi32, #tpu.memory_space<vmem>> -> memref<1x128xi32, #tpu.memory_space<vmem>>
      %dma_wait3A_64 = tpu.memref_squeeze %dma_wait3A_63 : memref<1x128xi32, #tpu.memory_space<vmem>> -> memref<128xi32, #tpu.memory_space<vmem>>
      %dma_wait3A_65 = arith.constant 0 : i32
      %dma_wait3A_66 = arith.constant 0 : i32
      %dma_wait3A_67 = tpu.memref_slice %arg4[%dma_wait3A_65, %dma_wait3A_66] : memref<50176x8xf32, #tpu.memory_space<hbm>> -> memref<50176x8xf32, #tpu.memory_space<hbm>>
      tpu.wait_indirect_dma semaphore(%arg14 : memref<!tpu.dma_semaphore, #tpu.memory_space<semaphore_mem>>) src(%dma_wait3A_67 : memref<50176x8xf32, #tpu.memory_space<hbm>>) dst(%arg10 : memref<128x8xf32, #tpu.memory_space<vmem>>)
      %mul3A_68 = arith.constant 4 : i32
      %mul3A_69 = arith.muli %mul3A_68, %scan3A_16 : i32
      %add3A_70 = arith.constant 1 : i32
      %add3A_71 = arith.addi %mul3A_69, %add3A_70 : i32
      "tpu.region"() ({
        %run_scoped3A = tpu.sem_alloc : memref<!tpu.dma_semaphore, #tpu.memory_space<semaphore_mem>>
        %dma_start3A_93 = arith.constant 0 : i32
        %dma_start3A_94 = tpu.memref_slice %arg8[%add3A_71, %dma_start3A_93] : memref<196x128xi32, #tpu.memory_space<vmem>> -> memref<1x128xi32, #tpu.memory_space<vmem>>
        %dma_start3A_95 = tpu.memref_squeeze %dma_start3A_94 : memref<1x128xi32, #tpu.memory_space<vmem>> -> memref<128xi32, #tpu.memory_space<vmem>>
        %dma_start3A_96 = arith.constant 0 : i32
        %dma_start3A_97 = arith.constant 0 : i32
        %dma_start3A_98 = tpu.memref_slice %arg17[%dma_start3A_96, %dma_start3A_97] : memref<50176x8xf32, #tpu.memory_space<vmem_shared>> -> memref<50176x8xf32, #tpu.memory_space<vmem_shared>>
        tpu.enqueue_indirect_dma source(%arg10 : memref<128x8xf32, #tpu.memory_space<vmem>>) target(%dma_start3A_98 : memref<50176x8xf32, #tpu.memory_space<vmem_shared>>) offsets(%dma_start3A_95 : memref<128xi32, #tpu.memory_space<vmem>>) semaphore(%run_scoped3A : memref<!tpu.dma_semaphore, #tpu.memory_space<semaphore_mem>>) {add = true}
        %dma_wait3A_99 = arith.constant 0 : i32
        %dma_wait3A_100 = tpu.memref_slice %arg8[%add3A_71, %dma_wait3A_99] : memref<196x128xi32, #tpu.memory_space<vmem>> -> memref<1x128xi32, #tpu.memory_space<vmem>>
        %dma_wait3A_101 = tpu.memref_squeeze %dma_wait3A_100 : memref<1x128xi32, #tpu.memory_space<vmem>> -> memref<128xi32, #tpu.memory_space<vmem>>
        %dma_wait3A_102 = arith.constant 0 : i32
        %dma_wait3A_103 = arith.constant 0 : i32
        %dma_wait3A_104 = tpu.memref_slice %arg17[%dma_wait3A_102, %dma_wait3A_103] : memref<50176x8xf32, #tpu.memory_space<vmem_shared>> -> memref<50176x8xf32, #tpu.memory_space<vmem_shared>>
        tpu.wait_indirect_dma semaphore(%run_scoped3A : memref<!tpu.dma_semaphore, #tpu.memory_space<semaphore_mem>>) src(%arg10 : memref<128x8xf32, #tpu.memory_space<vmem>>) dst(%dma_wait3A_104 : memref<50176x8xf32, #tpu.memory_space<vmem_shared>>)
        tpu.yield
      }) : () -> ()
      %dma_wait3A_72 = arith.constant 0 : i32
      %dma_wait3A_73 = tpu.memref_slice %arg7[%add3A_38, %dma_wait3A_72] : memref<196x128xi32, #tpu.memory_space<vmem>> -> memref<1x128xi32, #tpu.memory_space<vmem>>
      %dma_wait3A_74 = tpu.memref_squeeze %dma_wait3A_73 : memref<1x128xi32, #tpu.memory_space<vmem>> -> memref<128xi32, #tpu.memory_space<vmem>>
      %dma_wait3A_75 = arith.constant 0 : i32
      %dma_wait3A_76 = arith.constant 0 : i32
      %dma_wait3A_77 = tpu.memref_slice %arg4[%dma_wait3A_75, %dma_wait3A_76] : memref<50176x8xf32, #tpu.memory_space<hbm>> -> memref<50176x8xf32, #tpu.memory_space<hbm>>
      tpu.wait_indirect_dma semaphore(%arg15 : memref<!tpu.dma_semaphore, #tpu.memory_space<semaphore_mem>>) src(%dma_wait3A_77 : memref<50176x8xf32, #tpu.memory_space<hbm>>) dst(%arg11 : memref<128x8xf32, #tpu.memory_space<vmem>>)
      %mul3A_78 = arith.constant 4 : i32
      %mul3A_79 = arith.muli %mul3A_78, %scan3A_16 : i32
      %add3A_80 = arith.constant 2 : i32
      %add3A_81 = arith.addi %mul3A_79, %add3A_80 : i32
      "tpu.region"() ({
        %run_scoped3A = tpu.sem_alloc : memref<!tpu.dma_semaphore, #tpu.memory_space<semaphore_mem>>
        %dma_start3A_93 = arith.constant 0 : i32
        %dma_start3A_94 = tpu.memref_slice %arg8[%add3A_81, %dma_start3A_93] : memref<196x128xi32, #tpu.memory_space<vmem>> -> memref<1x128xi32, #tpu.memory_space<vmem>>
        %dma_start3A_95 = tpu.memref_squeeze %dma_start3A_94 : memref<1x128xi32, #tpu.memory_space<vmem>> -> memref<128xi32, #tpu.memory_space<vmem>>
        %dma_start3A_96 = arith.constant 0 : i32
        %dma_start3A_97 = arith.constant 0 : i32
        %dma_start3A_98 = tpu.memref_slice %arg17[%dma_start3A_96, %dma_start3A_97] : memref<50176x8xf32, #tpu.memory_space<vmem_shared>> -> memref<50176x8xf32, #tpu.memory_space<vmem_shared>>
        tpu.enqueue_indirect_dma source(%arg11 : memref<128x8xf32, #tpu.memory_space<vmem>>) target(%dma_start3A_98 : memref<50176x8xf32, #tpu.memory_space<vmem_shared>>) offsets(%dma_start3A_95 : memref<128xi32, #tpu.memory_space<vmem>>) semaphore(%run_scoped3A : memref<!tpu.dma_semaphore, #tpu.memory_space<semaphore_mem>>) {add = true}
        %dma_wait3A_99 = arith.constant 0 : i32
        %dma_wait3A_100 = tpu.memref_slice %arg8[%add3A_81, %dma_wait3A_99] : memref<196x128xi32, #tpu.memory_space<vmem>> -> memref<1x128xi32, #tpu.memory_space<vmem>>
        %dma_wait3A_101 = tpu.memref_squeeze %dma_wait3A_100 : memref<1x128xi32, #tpu.memory_space<vmem>> -> memref<128xi32, #tpu.memory_space<vmem>>
        %dma_wait3A_102 = arith.constant 0 : i32
        %dma_wait3A_103 = arith.constant 0 : i32
        %dma_wait3A_104 = tpu.memref_slice %arg17[%dma_wait3A_102, %dma_wait3A_103] : memref<50176x8xf32, #tpu.memory_space<vmem_shared>> -> memref<50176x8xf32, #tpu.memory_space<vmem_shared>>
        tpu.wait_indirect_dma semaphore(%run_scoped3A : memref<!tpu.dma_semaphore, #tpu.memory_space<semaphore_mem>>) src(%arg11 : memref<128x8xf32, #tpu.memory_space<vmem>>) dst(%dma_wait3A_104 : memref<50176x8xf32, #tpu.memory_space<vmem_shared>>)
        tpu.yield
      }) : () -> ()
      %dma_wait3A_82 = arith.constant 0 : i32
      %dma_wait3A_83 = tpu.memref_slice %arg7[%add3A_48, %dma_wait3A_82] : memref<196x128xi32, #tpu.memory_space<vmem>> -> memref<1x128xi32, #tpu.memory_space<vmem>>
      %dma_wait3A_84 = tpu.memref_squeeze %dma_wait3A_83 : memref<1x128xi32, #tpu.memory_space<vmem>> -> memref<128xi32, #tpu.memory_space<vmem>>
      %dma_wait3A_85 = arith.constant 0 : i32
      %dma_wait3A_86 = arith.constant 0 : i32
      %dma_wait3A_87 = tpu.memref_slice %arg4[%dma_wait3A_85, %dma_wait3A_86] : memref<50176x8xf32, #tpu.memory_space<hbm>> -> memref<50176x8xf32, #tpu.memory_space<hbm>>
      tpu.wait_indirect_dma semaphore(%arg16 : memref<!tpu.dma_semaphore, #tpu.memory_space<semaphore_mem>>) src(%dma_wait3A_87 : memref<50176x8xf32, #tpu.memory_space<hbm>>) dst(%arg12 : memref<128x8xf32, #tpu.memory_space<vmem>>)
      %mul3A_88 = arith.constant 4 : i32
      %mul3A_89 = arith.muli %mul3A_88, %scan3A_16 : i32
      %add3A_90 = arith.constant 3 : i32
      %add3A_91 = arith.addi %mul3A_89, %add3A_90 : i32
      "tpu.region"() ({
        %run_scoped3A = tpu.sem_alloc : memref<!tpu.dma_semaphore, #tpu.memory_space<semaphore_mem>>
        %dma_start3A_93 = arith.constant 0 : i32
        %dma_start3A_94 = tpu.memref_slice %arg8[%add3A_91, %dma_start3A_93] : memref<196x128xi32, #tpu.memory_space<vmem>> -> memref<1x128xi32, #tpu.memory_space<vmem>>
        %dma_start3A_95 = tpu.memref_squeeze %dma_start3A_94 : memref<1x128xi32, #tpu.memory_space<vmem>> -> memref<128xi32, #tpu.memory_space<vmem>>
        %dma_start3A_96 = arith.constant 0 : i32
        %dma_start3A_97 = arith.constant 0 : i32
        %dma_start3A_98 = tpu.memref_slice %arg17[%dma_start3A_96, %dma_start3A_97] : memref<50176x8xf32, #tpu.memory_space<vmem_shared>> -> memref<50176x8xf32, #tpu.memory_space<vmem_shared>>
        tpu.enqueue_indirect_dma source(%arg12 : memref<128x8xf32, #tpu.memory_space<vmem>>) target(%dma_start3A_98 : memref<50176x8xf32, #tpu.memory_space<vmem_shared>>) offsets(%dma_start3A_95 : memref<128xi32, #tpu.memory_space<vmem>>) semaphore(%run_scoped3A : memref<!tpu.dma_semaphore, #tpu.memory_space<semaphore_mem>>) {add = true}
        %dma_wait3A_99 = arith.constant 0 : i32
        %dma_wait3A_100 = tpu.memref_slice %arg8[%add3A_91, %dma_wait3A_99] : memref<196x128xi32, #tpu.memory_space<vmem>> -> memref<1x128xi32, #tpu.memory_space<vmem>>
        %dma_wait3A_101 = tpu.memref_squeeze %dma_wait3A_100 : memref<1x128xi32, #tpu.memory_space<vmem>> -> memref<128xi32, #tpu.memory_space<vmem>>
        %dma_wait3A_102 = arith.constant 0 : i32
        %dma_wait3A_103 = arith.constant 0 : i32
        %dma_wait3A_104 = tpu.memref_slice %arg17[%dma_wait3A_102, %dma_wait3A_103] : memref<50176x8xf32, #tpu.memory_space<vmem_shared>> -> memref<50176x8xf32, #tpu.memory_space<vmem_shared>>
        tpu.wait_indirect_dma semaphore(%run_scoped3A : memref<!tpu.dma_semaphore, #tpu.memory_space<semaphore_mem>>) src(%arg12 : memref<128x8xf32, #tpu.memory_space<vmem>>) dst(%dma_wait3A_104 : memref<50176x8xf32, #tpu.memory_space<vmem_shared>>)
        tpu.yield
      }) : () -> ()
      %scan3A_92 = arith.constant 0 : i32
      scf.yield %scan3A_92 : i32
    }
    %scan3A_10 = arith.constant 49 : i32
    %barrier3A_11 = arith.constant 0 : index
    tpu.barrier barrier_id(%barrier3A_11)
    %mul3A_12 = arith.constant 3136 : i32
    %mul3A_13 = arith.muli %arg1, %mul3A_12 : i32
    %mul3A_14 = arith.constant 3136 : i32
    %mul3A_15 = arith.muli %arg1, %mul3A_14 : i32
    "tpu.region"() ({
      %run_scoped3A = tpu.sem_alloc : memref<!tpu.dma_semaphore, #tpu.memory_space<semaphore_mem>>
      %dma_start3A = arith.constant 0 : i32
      %dma_start3A_16 = tpu.memref_slice %arg6[%arg0, %mul3A_15, %dma_start3A] : memref<2x50176x8xf32, #tpu.memory_space<hbm>> -> memref<1x3136x8xf32, #tpu.memory_space<hbm>>
      %dma_start3A_17 = tpu.memref_squeeze %dma_start3A_16 : memref<1x3136x8xf32, #tpu.memory_space<hbm>> -> memref<3136x8xf32, #tpu.memory_space<hbm>>
      %dma_start3A_18 = arith.constant 0 : i32
      %dma_start3A_19 = tpu.memref_slice %arg17[%mul3A_13, %dma_start3A_18] : memref<50176x8xf32, #tpu.memory_space<vmem_shared>> -> memref<3136x8xf32, #tpu.memory_space<vmem_shared>>
      tpu.enqueue_dma source(%dma_start3A_19 : memref<3136x8xf32, #tpu.memory_space<vmem_shared>>) target(%dma_start3A_17 : memref<3136x8xf32, #tpu.memory_space<hbm>>) target_semaphore(%run_scoped3A : memref<!tpu.dma_semaphore, #tpu.memory_space<semaphore_mem>>)
      %dma_wait3A = arith.constant 0 : i32
      %dma_wait3A_20 = tpu.memref_slice %arg6[%arg0, %mul3A_15, %dma_wait3A] : memref<2x50176x8xf32, #tpu.memory_space<hbm>> -> memref<1x3136x8xf32, #tpu.memory_space<hbm>>
      %dma_wait3A_21 = tpu.memref_squeeze %dma_wait3A_20 : memref<1x3136x8xf32, #tpu.memory_space<hbm>> -> memref<3136x8xf32, #tpu.memory_space<hbm>>
      %dma_wait3A_22 = arith.constant 0 : i32
      %dma_wait3A_23 = tpu.memref_slice %arg17[%mul3A_13, %dma_wait3A_22] : memref<50176x8xf32, #tpu.memory_space<vmem_shared>> -> memref<3136x8xf32, #tpu.memory_space<vmem_shared>>
      tpu.wait_dma2 semaphore(%run_scoped3A : memref<!tpu.dma_semaphore, #tpu.memory_space<semaphore_mem>>) src(%dma_wait3A_23 : memref<3136x8xf32, #tpu.memory_space<vmem_shared>>) dst(%dma_wait3A_21 : memref<3136x8xf32, #tpu.memory_space<hbm>>)
      tpu.yield
    }) : () -> ()
    return
  }
}

#map = affine_map<(d0, d1) -> (0, 0, 0)>
#map1 = affine_map<(d0, d1) -> (0)>
#map2 = affine_map<(d0, d1) -> (0, 0)>
module attributes {stable_mosaic.version = 14 : i64} {
  func.func @_sc_degree(%arg0: i32, %arg1: i32, %arg2: memref<32x196x128xi32, #tpu.memory_space<hbm>>, %arg3: memref<50176xf32, #tpu.memory_space<hbm>>, %arg4: memref<2x50176xf32, #tpu.memory_space<hbm>>, %arg5: memref<196x128xi32, #tpu.memory_space<vmem>>, %arg6: memref<128xf32, #tpu.memory_space<vmem>>, %arg7: memref<50176xf32, #tpu.memory_space<vmem_shared>>) attributes {dimension_semantics = [#tpu.dimension_semantics<core_parallel>, #tpu.dimension_semantics<subcore_parallel>], iteration_bounds = array<i64: 2, 16>, scalar_prefetch = 0 : i64, scratch_operands = 3 : i64, tpu.core_type = #tpu.core_type<sc_vector_subcore>, window_params = [{transform_indices = #map}, {transform_indices = #map1}, {transform_indices = #map2}]} {
    %mul3A = arith.constant 16 : i32
    %mul3A_0 = arith.muli %arg0, %mul3A : i32
    %add3A = arith.addi %mul3A_0, %arg1 : i32
    %mul3A_1 = arith.constant 3136 : i32
    %mul3A_2 = arith.muli %arg1, %mul3A_1 : i32
    %mul3A_3 = arith.constant 3136 : i32
    %mul3A_4 = arith.muli %arg1, %mul3A_3 : i32
    "tpu.region"() ({
      %run_scoped3A = tpu.sem_alloc : memref<!tpu.dma_semaphore, #tpu.memory_space<semaphore_mem>>
      %dma_start3A = tpu.memref_slice %arg7[%mul3A_4] : memref<50176xf32, #tpu.memory_space<vmem_shared>> -> memref<3136xf32, #tpu.memory_space<vmem_shared>>
      %dma_start3A_23 = tpu.memref_slice %arg3[%mul3A_2] : memref<50176xf32, #tpu.memory_space<hbm>> -> memref<3136xf32, #tpu.memory_space<hbm>>
      tpu.enqueue_dma source(%dma_start3A_23 : memref<3136xf32, #tpu.memory_space<hbm>>) target(%dma_start3A : memref<3136xf32, #tpu.memory_space<vmem_shared>>) target_semaphore(%run_scoped3A : memref<!tpu.dma_semaphore, #tpu.memory_space<semaphore_mem>>)
      %dma_wait3A = tpu.memref_slice %arg7[%mul3A_4] : memref<50176xf32, #tpu.memory_space<vmem_shared>> -> memref<3136xf32, #tpu.memory_space<vmem_shared>>
      %dma_wait3A_24 = tpu.memref_slice %arg3[%mul3A_2] : memref<50176xf32, #tpu.memory_space<hbm>> -> memref<3136xf32, #tpu.memory_space<hbm>>
      tpu.wait_dma2 semaphore(%run_scoped3A : memref<!tpu.dma_semaphore, #tpu.memory_space<semaphore_mem>>) src(%dma_wait3A_24 : memref<3136xf32, #tpu.memory_space<hbm>>) dst(%dma_wait3A : memref<3136xf32, #tpu.memory_space<vmem_shared>>)
      tpu.yield
    }) : () -> ()
    %scan3A = arith.constant 0 : i32
    %scan3A_5 = arith.constant 0 : i32
    %scan3A_6 = arith.constant 8 : i32
    %scan3A_7 = arith.addi %scan3A_5, %scan3A_6 : i32
    %scan3A_8 = arith.constant 1 : i32
    %scan3A_9 = scf.for %scan3A_23 = %scan3A_5 to %scan3A_7 step %scan3A_8 iter_args(%scan3A_24 = %scan3A) -> (i32)  : i32 {
      %broadcast_in_dim3A = arith.constant 1.000000e+00 : f32
      %broadcast_in_dim3A_25 = vector.broadcast %broadcast_in_dim3A : f32 to vector<16xf32>
      %mul3A_26 = arith.constant 16 : i32
      %mul3A_27 = arith.muli %scan3A_23, %mul3A_26 : i32
      %swap3A = arith.index_cast %mul3A_27 : i32 to index
      %swap3A_28 = tpu.vector_load %arg6[%swap3A] {strides = array<i32>} : memref<128xf32, #tpu.memory_space<vmem>>, vector<16xf32>,
      %swap3A_29 = vector.shape_cast %swap3A_28 : vector<16xf32> to vector<16xf32>
      %swap3A_30 = vector.shape_cast %broadcast_in_dim3A_25 : vector<16xf32> to vector<16xf32>
      tpu.vector_store %arg6[%swap3A], %swap3A_30 {strides = array<i32>} : memref<128xf32, #tpu.memory_space<vmem>>, vector<16xf32>,
      %scan3A_31 = arith.constant 0 : i32
      scf.yield %scan3A_31 : i32
    }
    %scan3A_10 = arith.constant 8 : i32
    "tpu.region"() ({
      %run_scoped3A = tpu.sem_alloc : memref<!tpu.dma_semaphore, #tpu.memory_space<semaphore_mem>>
      %dma_start3A = arith.constant 0 : i32
      %dma_start3A_23 = arith.constant 0 : i32
      %dma_start3A_24 = tpu.memref_slice %arg2[%add3A, %dma_start3A, %dma_start3A_23] : memref<32x196x128xi32, #tpu.memory_space<hbm>> -> memref<1x196x128xi32, #tpu.memory_space<hbm>>
      %dma_start3A_25 = tpu.memref_squeeze %dma_start3A_24 : memref<1x196x128xi32, #tpu.memory_space<hbm>> -> memref<196x128xi32, #tpu.memory_space<hbm>>
      %dma_start3A_26 = arith.constant 0 : i32
      %dma_start3A_27 = arith.constant 0 : i32
      %dma_start3A_28 = tpu.memref_slice %arg2[%add3A, %dma_start3A_26, %dma_start3A_27] : memref<32x196x128xi32, #tpu.memory_space<hbm>> -> memref<1x196x128xi32, #tpu.memory_space<hbm>>
      %dma_start3A_29 = tpu.memref_squeeze %dma_start3A_28 : memref<1x196x128xi32, #tpu.memory_space<hbm>> -> memref<196x128xi32, #tpu.memory_space<hbm>>
      tpu.enqueue_dma source(%dma_start3A_29 : memref<196x128xi32, #tpu.memory_space<hbm>>) target(%arg5 : memref<196x128xi32, #tpu.memory_space<vmem>>) target_semaphore(%run_scoped3A : memref<!tpu.dma_semaphore, #tpu.memory_space<semaphore_mem>>)
      %dma_wait3A = arith.constant 0 : i32
      %dma_wait3A_30 = arith.constant 0 : i32
      %dma_wait3A_31 = tpu.memref_slice %arg2[%add3A, %dma_wait3A, %dma_wait3A_30] : memref<32x196x128xi32, #tpu.memory_space<hbm>> -> memref<1x196x128xi32, #tpu.memory_space<hbm>>
      %dma_wait3A_32 = tpu.memref_squeeze %dma_wait3A_31 : memref<1x196x128xi32, #tpu.memory_space<hbm>> -> memref<196x128xi32, #tpu.memory_space<hbm>>
      %dma_wait3A_33 = arith.constant 0 : i32
      %dma_wait3A_34 = arith.constant 0 : i32
      %dma_wait3A_35 = tpu.memref_slice %arg2[%add3A, %dma_wait3A_33, %dma_wait3A_34] : memref<32x196x128xi32, #tpu.memory_space<hbm>> -> memref<1x196x128xi32, #tpu.memory_space<hbm>>
      %dma_wait3A_36 = tpu.memref_squeeze %dma_wait3A_35 : memref<1x196x128xi32, #tpu.memory_space<hbm>> -> memref<196x128xi32, #tpu.memory_space<hbm>>
      tpu.wait_dma2 semaphore(%run_scoped3A : memref<!tpu.dma_semaphore, #tpu.memory_space<semaphore_mem>>) src(%dma_wait3A_36 : memref<196x128xi32, #tpu.memory_space<hbm>>) dst(%arg5 : memref<196x128xi32, #tpu.memory_space<vmem>>)
      tpu.yield
    }) : () -> ()
    %barrier3A = arith.constant 0 : index
    tpu.barrier barrier_id(%barrier3A)
    %scan3A_11 = arith.constant 0 : i32
    %scan3A_12 = arith.constant 0 : i32
    %scan3A_13 = arith.constant 196 : i32
    %scan3A_14 = arith.addi %scan3A_12, %scan3A_13 : i32
    %scan3A_15 = arith.constant 1 : i32
    %scan3A_16 = scf.for %scan3A_23 = %scan3A_12 to %scan3A_14 step %scan3A_15 iter_args(%scan3A_24 = %scan3A_11) -> (i32)  : i32 {
      "tpu.region"() ({
        %run_scoped3A = tpu.sem_alloc : memref<!tpu.dma_semaphore, #tpu.memory_space<semaphore_mem>>
        %dma_start3A = arith.constant 0 : i32
        %dma_start3A_26 = tpu.memref_slice %arg5[%scan3A_23, %dma_start3A] : memref<196x128xi32, #tpu.memory_space<vmem>> -> memref<1x128xi32, #tpu.memory_space<vmem>>
        %dma_start3A_27 = tpu.memref_squeeze %dma_start3A_26 : memref<1x128xi32, #tpu.memory_space<vmem>> -> memref<128xi32, #tpu.memory_space<vmem>>
        %dma_start3A_28 = arith.constant 0 : i32
        %dma_start3A_29 = tpu.memref_slice %arg7[%dma_start3A_28] : memref<50176xf32, #tpu.memory_space<vmem_shared>> -> memref<50176xf32, #tpu.memory_space<vmem_shared>>
        tpu.enqueue_indirect_dma source(%arg6 : memref<128xf32, #tpu.memory_space<vmem>>) target(%dma_start3A_29 : memref<50176xf32, #tpu.memory_space<vmem_shared>>) offsets(%dma_start3A_27 : memref<128xi32, #tpu.memory_space<vmem>>) semaphore(%run_scoped3A : memref<!tpu.dma_semaphore, #tpu.memory_space<semaphore_mem>>) {add = true}
        %dma_wait3A = arith.constant 0 : i32
        %dma_wait3A_30 = tpu.memref_slice %arg5[%scan3A_23, %dma_wait3A] : memref<196x128xi32, #tpu.memory_space<vmem>> -> memref<1x128xi32, #tpu.memory_space<vmem>>
        %dma_wait3A_31 = tpu.memref_squeeze %dma_wait3A_30 : memref<1x128xi32, #tpu.memory_space<vmem>> -> memref<128xi32, #tpu.memory_space<vmem>>
        %dma_wait3A_32 = arith.constant 0 : i32
        %dma_wait3A_33 = tpu.memref_slice %arg7[%dma_wait3A_32] : memref<50176xf32, #tpu.memory_space<vmem_shared>> -> memref<50176xf32, #tpu.memory_space<vmem_shared>>
        tpu.wait_indirect_dma semaphore(%run_scoped3A : memref<!tpu.dma_semaphore, #tpu.memory_space<semaphore_mem>>) src(%arg6 : memref<128xf32, #tpu.memory_space<vmem>>) dst(%dma_wait3A_33 : memref<50176xf32, #tpu.memory_space<vmem_shared>>)
        tpu.yield
      }) : () -> ()
      %scan3A_25 = arith.constant 0 : i32
      scf.yield %scan3A_25 : i32
    }
    %scan3A_17 = arith.constant 196 : i32
    %barrier3A_18 = arith.constant 0 : index
    tpu.barrier barrier_id(%barrier3A_18)
    %mul3A_19 = arith.constant 3136 : i32
    %mul3A_20 = arith.muli %arg1, %mul3A_19 : i32
    %mul3A_21 = arith.constant 3136 : i32
    %mul3A_22 = arith.muli %arg1, %mul3A_21 : i32
    "tpu.region"() ({
      %run_scoped3A = tpu.sem_alloc : memref<!tpu.dma_semaphore, #tpu.memory_space<semaphore_mem>>
      %dma_start3A = tpu.memref_slice %arg4[%arg0, %mul3A_22] : memref<2x50176xf32, #tpu.memory_space<hbm>> -> memref<1x3136xf32, #tpu.memory_space<hbm>>
      %dma_start3A_23 = tpu.memref_squeeze %dma_start3A : memref<1x3136xf32, #tpu.memory_space<hbm>> -> memref<3136xf32, #tpu.memory_space<hbm>>
      %dma_start3A_24 = tpu.memref_slice %arg7[%mul3A_20] : memref<50176xf32, #tpu.memory_space<vmem_shared>> -> memref<3136xf32, #tpu.memory_space<vmem_shared>>
      tpu.enqueue_dma source(%dma_start3A_24 : memref<3136xf32, #tpu.memory_space<vmem_shared>>) target(%dma_start3A_23 : memref<3136xf32, #tpu.memory_space<hbm>>) target_semaphore(%run_scoped3A : memref<!tpu.dma_semaphore, #tpu.memory_space<semaphore_mem>>)
      %dma_wait3A = tpu.memref_slice %arg4[%arg0, %mul3A_22] : memref<2x50176xf32, #tpu.memory_space<hbm>> -> memref<1x3136xf32, #tpu.memory_space<hbm>>
      %dma_wait3A_25 = tpu.memref_squeeze %dma_wait3A : memref<1x3136xf32, #tpu.memory_space<hbm>> -> memref<3136xf32, #tpu.memory_space<hbm>>
      %dma_wait3A_26 = tpu.memref_slice %arg7[%mul3A_20] : memref<50176xf32, #tpu.memory_space<vmem_shared>> -> memref<3136xf32, #tpu.memory_space<vmem_shared>>
      tpu.wait_dma2 semaphore(%run_scoped3A : memref<!tpu.dma_semaphore, #tpu.memory_space<semaphore_mem>>) src(%dma_wait3A_26 : memref<3136xf32, #tpu.memory_space<vmem_shared>>) dst(%dma_wait3A_25 : memref<3136xf32, #tpu.memory_space<hbm>>)
      tpu.yield
    }) : () -> ()
    return
  }
}

#map = affine_map<(d0, d1) -> (0, 0, 0)>
#map1 = affine_map<(d0, d1) -> (0, 0)>
module attributes {stable_mosaic.version = 14 : i64} {
  func.func @_sc_pass1(%arg0: i32, %arg1: i32, %arg2: memref<32x196x128xi32, #tpu.memory_space<hbm>>, %arg3: memref<32x196x128xi32, #tpu.memory_space<hbm>>, %arg4: memref<50176x32xf32, #tpu.memory_space<hbm>>, %arg5: memref<50176x32xf32, #tpu.memory_space<hbm>>, %arg6: memref<2x50176x32xf32, #tpu.memory_space<hbm>>, %arg7: memref<28x128xi32, #tpu.memory_space<vmem>>, %arg8: memref<28x128xi32, #tpu.memory_space<vmem>>, %arg9: memref<128x32xf32, #tpu.memory_space<vmem>>, %arg10: memref<128x32xf32, #tpu.memory_space<vmem>>, %arg11: memref<128x32xf32, #tpu.memory_space<vmem>>, %arg12: memref<128x32xf32, #tpu.memory_space<vmem>>, %arg13: memref<!tpu.dma_semaphore, #tpu.memory_space<semaphore_mem>>, %arg14: memref<!tpu.dma_semaphore, #tpu.memory_space<semaphore_mem>>, %arg15: memref<!tpu.dma_semaphore, #tpu.memory_space<semaphore_mem>>, %arg16: memref<!tpu.dma_semaphore, #tpu.memory_space<semaphore_mem>>, %arg17: memref<50176x32xf32, #tpu.memory_space<vmem_shared>>) attributes {dimension_semantics = [#tpu.dimension_semantics<core_parallel>, #tpu.dimension_semantics<subcore_parallel>], iteration_bounds = array<i64: 2, 16>, scalar_prefetch = 0 : i64, scratch_operands = 11 : i64, tpu.core_type = #tpu.core_type<sc_vector_subcore>, window_params = [{transform_indices = #map}, {transform_indices = #map}, {transform_indices = #map1}, {transform_indices = #map1}, {transform_indices = #map}]} {
    %mul3A = arith.constant 16 : i32
    %mul3A_0 = arith.muli %arg0, %mul3A : i32
    %add3A = arith.addi %mul3A_0, %arg1 : i32
    %mul3A_1 = arith.constant 3136 : i32
    %mul3A_2 = arith.muli %arg1, %mul3A_1 : i32
    %mul3A_3 = arith.constant 3136 : i32
    %mul3A_4 = arith.muli %arg1, %mul3A_3 : i32
    "tpu.region"() ({
      %run_scoped3A = tpu.sem_alloc : memref<!tpu.dma_semaphore, #tpu.memory_space<semaphore_mem>>
      %dma_start3A = arith.constant 0 : i32
      %dma_start3A_16 = tpu.memref_slice %arg17[%mul3A_4, %dma_start3A] : memref<50176x32xf32, #tpu.memory_space<vmem_shared>> -> memref<3136x32xf32, #tpu.memory_space<vmem_shared>>
      %dma_start3A_17 = arith.constant 0 : i32
      %dma_start3A_18 = tpu.memref_slice %arg5[%mul3A_2, %dma_start3A_17] : memref<50176x32xf32, #tpu.memory_space<hbm>> -> memref<3136x32xf32, #tpu.memory_space<hbm>>
      tpu.enqueue_dma source(%dma_start3A_18 : memref<3136x32xf32, #tpu.memory_space<hbm>>) target(%dma_start3A_16 : memref<3136x32xf32, #tpu.memory_space<vmem_shared>>) target_semaphore(%run_scoped3A : memref<!tpu.dma_semaphore, #tpu.memory_space<semaphore_mem>>)
      %dma_wait3A = arith.constant 0 : i32
      %dma_wait3A_19 = tpu.memref_slice %arg17[%mul3A_4, %dma_wait3A] : memref<50176x32xf32, #tpu.memory_space<vmem_shared>> -> memref<3136x32xf32, #tpu.memory_space<vmem_shared>>
      %dma_wait3A_20 = arith.constant 0 : i32
      %dma_wait3A_21 = tpu.memref_slice %arg5[%mul3A_2, %dma_wait3A_20] : memref<50176x32xf32, #tpu.memory_space<hbm>> -> memref<3136x32xf32, #tpu.memory_space<hbm>>
      tpu.wait_dma2 semaphore(%run_scoped3A : memref<!tpu.dma_semaphore, #tpu.memory_space<semaphore_mem>>) src(%dma_wait3A_21 : memref<3136x32xf32, #tpu.memory_space<hbm>>) dst(%dma_wait3A_19 : memref<3136x32xf32, #tpu.memory_space<vmem_shared>>)
      tpu.yield
    }) : () -> ()
    %barrier3A = arith.constant 0 : index
    tpu.barrier barrier_id(%barrier3A)
    %scan3A = arith.constant 0 : i32
    %scan3A_5 = arith.constant 0 : i32
    %scan3A_6 = arith.constant 7 : i32
    %scan3A_7 = arith.addi %scan3A_5, %scan3A_6 : i32
    %scan3A_8 = arith.constant 1 : i32
    %scan3A_9 = scf.for %scan3A_16 = %scan3A_5 to %scan3A_7 step %scan3A_8 iter_args(%scan3A_17 = %scan3A) -> (i32)  : i32 {
      %mul3A_18 = arith.constant 28 : i32
      %mul3A_19 = arith.muli %scan3A_16, %mul3A_18 : i32
      "tpu.region"() ({
        %run_scoped3A = tpu.sem_alloc : memref<!tpu.dma_semaphore, #tpu.memory_space<semaphore_mem>>
        %dma_start3A = arith.constant 0 : i32
        %dma_start3A_30 = tpu.memref_slice %arg2[%add3A, %mul3A_19, %dma_start3A] : memref<32x196x128xi32, #tpu.memory_space<hbm>> -> memref<1x28x128xi32, #tpu.memory_space<hbm>>
        %dma_start3A_31 = tpu.memref_squeeze %dma_start3A_30 : memref<1x28x128xi32, #tpu.memory_space<hbm>> -> memref<28x128xi32, #tpu.memory_space<hbm>>
        %dma_start3A_32 = arith.constant 0 : i32
        %dma_start3A_33 = tpu.memref_slice %arg2[%add3A, %mul3A_19, %dma_start3A_32] : memref<32x196x128xi32, #tpu.memory_space<hbm>> -> memref<1x28x128xi32, #tpu.memory_space<hbm>>
        %dma_start3A_34 = tpu.memref_squeeze %dma_start3A_33 : memref<1x28x128xi32, #tpu.memory_space<hbm>> -> memref<28x128xi32, #tpu.memory_space<hbm>>
        tpu.enqueue_dma source(%dma_start3A_34 : memref<28x128xi32, #tpu.memory_space<hbm>>) target(%arg7 : memref<28x128xi32, #tpu.memory_space<vmem>>) target_semaphore(%run_scoped3A : memref<!tpu.dma_semaphore, #tpu.memory_space<semaphore_mem>>)
        %dma_wait3A = arith.constant 0 : i32
        %dma_wait3A_35 = tpu.memref_slice %arg2[%add3A, %mul3A_19, %dma_wait3A] : memref<32x196x128xi32, #tpu.memory_space<hbm>> -> memref<1x28x128xi32, #tpu.memory_space<hbm>>
        %dma_wait3A_36 = tpu.memref_squeeze %dma_wait3A_35 : memref<1x28x128xi32, #tpu.memory_space<hbm>> -> memref<28x128xi32, #tpu.memory_space<hbm>>
        %dma_wait3A_37 = arith.constant 0 : i32
        %dma_wait3A_38 = tpu.memref_slice %arg2[%add3A, %mul3A_19, %dma_wait3A_37] : memref<32x196x128xi32, #tpu.memory_space<hbm>> -> memref<1x28x128xi32, #tpu.memory_space<hbm>>
        %dma_wait3A_39 = tpu.memref_squeeze %dma_wait3A_38 : memref<1x28x128xi32, #tpu.memory_space<hbm>> -> memref<28x128xi32, #tpu.memory_space<hbm>>
        tpu.wait_dma2 semaphore(%run_scoped3A : memref<!tpu.dma_semaphore, #tpu.memory_space<semaphore_mem>>) src(%dma_wait3A_39 : memref<28x128xi32, #tpu.memory_space<hbm>>) dst(%arg7 : memref<28x128xi32, #tpu.memory_space<vmem>>)
        tpu.yield
      }) : () -> ()
      %mul3A_20 = arith.constant 28 : i32
      %mul3A_21 = arith.muli %scan3A_16, %mul3A_20 : i32
      "tpu.region"() ({
        %run_scoped3A = tpu.sem_alloc : memref<!tpu.dma_semaphore, #tpu.memory_space<semaphore_mem>>
        %dma_start3A = arith.constant 0 : i32
        %dma_start3A_30 = tpu.memref_slice %arg3[%add3A, %mul3A_21, %dma_start3A] : memref<32x196x128xi32, #tpu.memory_space<hbm>> -> memref<1x28x128xi32, #tpu.memory_space<hbm>>
        %dma_start3A_31 = tpu.memref_squeeze %dma_start3A_30 : memref<1x28x128xi32, #tpu.memory_space<hbm>> -> memref<28x128xi32, #tpu.memory_space<hbm>>
        %dma_start3A_32 = arith.constant 0 : i32
        %dma_start3A_33 = tpu.memref_slice %arg3[%add3A, %mul3A_21, %dma_start3A_32] : memref<32x196x128xi32, #tpu.memory_space<hbm>> -> memref<1x28x128xi32, #tpu.memory_space<hbm>>
        %dma_start3A_34 = tpu.memref_squeeze %dma_start3A_33 : memref<1x28x128xi32, #tpu.memory_space<hbm>> -> memref<28x128xi32, #tpu.memory_space<hbm>>
        tpu.enqueue_dma source(%dma_start3A_34 : memref<28x128xi32, #tpu.memory_space<hbm>>) target(%arg8 : memref<28x128xi32, #tpu.memory_space<vmem>>) target_semaphore(%run_scoped3A : memref<!tpu.dma_semaphore, #tpu.memory_space<semaphore_mem>>)
        %dma_wait3A = arith.constant 0 : i32
        %dma_wait3A_35 = tpu.memref_slice %arg3[%add3A, %mul3A_21, %dma_wait3A] : memref<32x196x128xi32, #tpu.memory_space<hbm>> -> memref<1x28x128xi32, #tpu.memory_space<hbm>>
        %dma_wait3A_36 = tpu.memref_squeeze %dma_wait3A_35 : memref<1x28x128xi32, #tpu.memory_space<hbm>> -> memref<28x128xi32, #tpu.memory_space<hbm>>
        %dma_wait3A_37 = arith.constant 0 : i32
        %dma_wait3A_38 = tpu.memref_slice %arg3[%add3A, %mul3A_21, %dma_wait3A_37] : memref<32x196x128xi32, #tpu.memory_space<hbm>> -> memref<1x28x128xi32, #tpu.memory_space<hbm>>
        %dma_wait3A_39 = tpu.memref_squeeze %dma_wait3A_38 : memref<1x28x128xi32, #tpu.memory_space<hbm>> -> memref<28x128xi32, #tpu.memory_space<hbm>>
        tpu.wait_dma2 semaphore(%run_scoped3A : memref<!tpu.dma_semaphore, #tpu.memory_space<semaphore_mem>>) src(%dma_wait3A_39 : memref<28x128xi32, #tpu.memory_space<hbm>>) dst(%arg8 : memref<28x128xi32, #tpu.memory_space<vmem>>)
        tpu.yield
      }) : () -> ()
      %scan3A_22 = arith.constant 0 : i32
      %scan3A_23 = arith.constant 0 : i32
      %scan3A_24 = arith.constant 7 : i32
      %scan3A_25 = arith.addi %scan3A_23, %scan3A_24 : i32
      %scan3A_26 = arith.constant 1 : i32
      %scan3A_27 = scf.for %scan3A_30 = %scan3A_23 to %scan3A_25 step %scan3A_26 iter_args(%scan3A_31 = %scan3A_22) -> (i32)  : i32 {
        %mul3A_32 = arith.constant 4 : i32
        %mul3A_33 = arith.muli %mul3A_32, %scan3A_30 : i32
        %dma_start3A = arith.constant 0 : i32
        %dma_start3A_34 = tpu.memref_slice %arg7[%mul3A_33, %dma_start3A] : memref<28x128xi32, #tpu.memory_space<vmem>> -> memref<1x128xi32, #tpu.memory_space<vmem>>
        %dma_start3A_35 = tpu.memref_squeeze %dma_start3A_34 : memref<1x128xi32, #tpu.memory_space<vmem>> -> memref<128xi32, #tpu.memory_space<vmem>>
        %dma_start3A_36 = arith.constant 0 : i32
        %dma_start3A_37 = arith.constant 0 : i32
        %dma_start3A_38 = tpu.memref_slice %arg4[%dma_start3A_36, %dma_start3A_37] : memref<50176x32xf32, #tpu.memory_space<hbm>> -> memref<50176x32xf32, #tpu.memory_space<hbm>>
        tpu.enqueue_indirect_dma source(%dma_start3A_38 : memref<50176x32xf32, #tpu.memory_space<hbm>>) target(%arg9 : memref<128x32xf32, #tpu.memory_space<vmem>>) offsets(%dma_start3A_35 : memref<128xi32, #tpu.memory_space<vmem>>) semaphore(%arg13 : memref<!tpu.dma_semaphore, #tpu.memory_space<semaphore_mem>>)
        %mul3A_39 = arith.constant 4 : i32
        %mul3A_40 = arith.muli %mul3A_39, %scan3A_30 : i32
        %add3A_41 = arith.constant 1 : i32
        %add3A_42 = arith.addi %mul3A_40, %add3A_41 : i32
        %dma_start3A_43 = arith.constant 0 : i32
        %dma_start3A_44 = tpu.memref_slice %arg7[%add3A_42, %dma_start3A_43] : memref<28x128xi32, #tpu.memory_space<vmem>> -> memref<1x128xi32, #tpu.memory_space<vmem>>
        %dma_start3A_45 = tpu.memref_squeeze %dma_start3A_44 : memref<1x128xi32, #tpu.memory_space<vmem>> -> memref<128xi32, #tpu.memory_space<vmem>>
        %dma_start3A_46 = arith.constant 0 : i32
        %dma_start3A_47 = arith.constant 0 : i32
        %dma_start3A_48 = tpu.memref_slice %arg4[%dma_start3A_46, %dma_start3A_47] : memref<50176x32xf32, #tpu.memory_space<hbm>> -> memref<50176x32xf32, #tpu.memory_space<hbm>>
        tpu.enqueue_indirect_dma source(%dma_start3A_48 : memref<50176x32xf32, #tpu.memory_space<hbm>>) target(%arg10 : memref<128x32xf32, #tpu.memory_space<vmem>>) offsets(%dma_start3A_45 : memref<128xi32, #tpu.memory_space<vmem>>) semaphore(%arg14 : memref<!tpu.dma_semaphore, #tpu.memory_space<semaphore_mem>>)
        %mul3A_49 = arith.constant 4 : i32
        %mul3A_50 = arith.muli %mul3A_49, %scan3A_30 : i32
        %add3A_51 = arith.constant 2 : i32
        %add3A_52 = arith.addi %mul3A_50, %add3A_51 : i32
        %dma_start3A_53 = arith.constant 0 : i32
        %dma_start3A_54 = tpu.memref_slice %arg7[%add3A_52, %dma_start3A_53] : memref<28x128xi32, #tpu.memory_space<vmem>> -> memref<1x128xi32, #tpu.memory_space<vmem>>
        %dma_start3A_55 = tpu.memref_squeeze %dma_start3A_54 : memref<1x128xi32, #tpu.memory_space<vmem>> -> memref<128xi32, #tpu.memory_space<vmem>>
        %dma_start3A_56 = arith.constant 0 : i32
        %dma_start3A_57 = arith.constant 0 : i32
        %dma_start3A_58 = tpu.memref_slice %arg4[%dma_start3A_56, %dma_start3A_57] : memref<50176x32xf32, #tpu.memory_space<hbm>> -> memref<50176x32xf32, #tpu.memory_space<hbm>>
        tpu.enqueue_indirect_dma source(%dma_start3A_58 : memref<50176x32xf32, #tpu.memory_space<hbm>>) target(%arg11 : memref<128x32xf32, #tpu.memory_space<vmem>>) offsets(%dma_start3A_55 : memref<128xi32, #tpu.memory_space<vmem>>) semaphore(%arg15 : memref<!tpu.dma_semaphore, #tpu.memory_space<semaphore_mem>>)
        %mul3A_59 = arith.constant 4 : i32
        %mul3A_60 = arith.muli %mul3A_59, %scan3A_30 : i32
        %add3A_61 = arith.constant 3 : i32
        %add3A_62 = arith.addi %mul3A_60, %add3A_61 : i32
        %dma_start3A_63 = arith.constant 0 : i32
        %dma_start3A_64 = tpu.memref_slice %arg7[%add3A_62, %dma_start3A_63] : memref<28x128xi32, #tpu.memory_space<vmem>> -> memref<1x128xi32, #tpu.memory_space<vmem>>
        %dma_start3A_65 = tpu.memref_squeeze %dma_start3A_64 : memref<1x128xi32, #tpu.memory_space<vmem>> -> memref<128xi32, #tpu.memory_space<vmem>>
        %dma_start3A_66 = arith.constant 0 : i32
        %dma_start3A_67 = arith.constant 0 : i32
        %dma_start3A_68 = tpu.memref_slice %arg4[%dma_start3A_66, %dma_start3A_67] : memref<50176x32xf32, #tpu.memory_space<hbm>> -> memref<50176x32xf32, #tpu.memory_space<hbm>>
        tpu.enqueue_indirect_dma source(%dma_start3A_68 : memref<50176x32xf32, #tpu.memory_space<hbm>>) target(%arg12 : memref<128x32xf32, #tpu.memory_space<vmem>>) offsets(%dma_start3A_65 : memref<128xi32, #tpu.memory_space<vmem>>) semaphore(%arg16 : memref<!tpu.dma_semaphore, #tpu.memory_space<semaphore_mem>>)
        %dma_wait3A = arith.constant 0 : i32
        %dma_wait3A_69 = tpu.memref_slice %arg7[%mul3A_33, %dma_wait3A] : memref<28x128xi32, #tpu.memory_space<vmem>> -> memref<1x128xi32, #tpu.memory_space<vmem>>
        %dma_wait3A_70 = tpu.memref_squeeze %dma_wait3A_69 : memref<1x128xi32, #tpu.memory_space<vmem>> -> memref<128xi32, #tpu.memory_space<vmem>>
        %dma_wait3A_71 = arith.constant 0 : i32
        %dma_wait3A_72 = arith.constant 0 : i32
        %dma_wait3A_73 = tpu.memref_slice %arg4[%dma_wait3A_71, %dma_wait3A_72] : memref<50176x32xf32, #tpu.memory_space<hbm>> -> memref<50176x32xf32, #tpu.memory_space<hbm>>
        tpu.wait_indirect_dma semaphore(%arg13 : memref<!tpu.dma_semaphore, #tpu.memory_space<semaphore_mem>>) src(%dma_wait3A_73 : memref<50176x32xf32, #tpu.memory_space<hbm>>) dst(%arg9 : memref<128x32xf32, #tpu.memory_space<vmem>>)
        %mul3A_74 = arith.constant 4 : i32
        %mul3A_75 = arith.muli %mul3A_74, %scan3A_30 : i32
        "tpu.region"() ({
          %run_scoped3A = tpu.sem_alloc : memref<!tpu.dma_semaphore, #tpu.memory_space<semaphore_mem>>
          %dma_start3A_107 = arith.constant 0 : i32
          %dma_start3A_108 = tpu.memref_slice %arg8[%mul3A_75, %dma_start3A_107] : memref<28x128xi32, #tpu.memory_space<vmem>> -> memref<1x128xi32, #tpu.memory_space<vmem>>
          %dma_start3A_109 = tpu.memref_squeeze %dma_start3A_108 : memref<1x128xi32, #tpu.memory_space<vmem>> -> memref<128xi32, #tpu.memory_space<vmem>>
          %dma_start3A_110 = arith.constant 0 : i32
          %dma_start3A_111 = arith.constant 0 : i32
          %dma_start3A_112 = tpu.memref_slice %arg17[%dma_start3A_110, %dma_start3A_111] : memref<50176x32xf32, #tpu.memory_space<vmem_shared>> -> memref<50176x32xf32, #tpu.memory_space<vmem_shared>>
          tpu.enqueue_indirect_dma source(%arg9 : memref<128x32xf32, #tpu.memory_space<vmem>>) target(%dma_start3A_112 : memref<50176x32xf32, #tpu.memory_space<vmem_shared>>) offsets(%dma_start3A_109 : memref<128xi32, #tpu.memory_space<vmem>>) semaphore(%run_scoped3A : memref<!tpu.dma_semaphore, #tpu.memory_space<semaphore_mem>>) {add = true}
          %dma_wait3A_113 = arith.constant 0 : i32
          %dma_wait3A_114 = tpu.memref_slice %arg8[%mul3A_75, %dma_wait3A_113] : memref<28x128xi32, #tpu.memory_space<vmem>> -> memref<1x128xi32, #tpu.memory_space<vmem>>
          %dma_wait3A_115 = tpu.memref_squeeze %dma_wait3A_114 : memref<1x128xi32, #tpu.memory_space<vmem>> -> memref<128xi32, #tpu.memory_space<vmem>>
          %dma_wait3A_116 = arith.constant 0 : i32
          %dma_wait3A_117 = arith.constant 0 : i32
          %dma_wait3A_118 = tpu.memref_slice %arg17[%dma_wait3A_116, %dma_wait3A_117] : memref<50176x32xf32, #tpu.memory_space<vmem_shared>> -> memref<50176x32xf32, #tpu.memory_space<vmem_shared>>
          tpu.wait_indirect_dma semaphore(%run_scoped3A : memref<!tpu.dma_semaphore, #tpu.memory_space<semaphore_mem>>) src(%arg9 : memref<128x32xf32, #tpu.memory_space<vmem>>) dst(%dma_wait3A_118 : memref<50176x32xf32, #tpu.memory_space<vmem_shared>>)
          tpu.yield
        }) : () -> ()
        %dma_wait3A_76 = arith.constant 0 : i32
        %dma_wait3A_77 = tpu.memref_slice %arg7[%add3A_42, %dma_wait3A_76] : memref<28x128xi32, #tpu.memory_space<vmem>> -> memref<1x128xi32, #tpu.memory_space<vmem>>
        %dma_wait3A_78 = tpu.memref_squeeze %dma_wait3A_77 : memref<1x128xi32, #tpu.memory_space<vmem>> -> memref<128xi32, #tpu.memory_space<vmem>>
        %dma_wait3A_79 = arith.constant 0 : i32
        %dma_wait3A_80 = arith.constant 0 : i32
        %dma_wait3A_81 = tpu.memref_slice %arg4[%dma_wait3A_79, %dma_wait3A_80] : memref<50176x32xf32, #tpu.memory_space<hbm>> -> memref<50176x32xf32, #tpu.memory_space<hbm>>
        tpu.wait_indirect_dma semaphore(%arg14 : memref<!tpu.dma_semaphore, #tpu.memory_space<semaphore_mem>>) src(%dma_wait3A_81 : memref<50176x32xf32, #tpu.memory_space<hbm>>) dst(%arg10 : memref<128x32xf32, #tpu.memory_space<vmem>>)
        %mul3A_82 = arith.constant 4 : i32
        %mul3A_83 = arith.muli %mul3A_82, %scan3A_30 : i32
        %add3A_84 = arith.constant 1 : i32
        %add3A_85 = arith.addi %mul3A_83, %add3A_84 : i32
        "tpu.region"() ({
          %run_scoped3A = tpu.sem_alloc : memref<!tpu.dma_semaphore, #tpu.memory_space<semaphore_mem>>
          %dma_start3A_107 = arith.constant 0 : i32
          %dma_start3A_108 = tpu.memref_slice %arg8[%add3A_85, %dma_start3A_107] : memref<28x128xi32, #tpu.memory_space<vmem>> -> memref<1x128xi32, #tpu.memory_space<vmem>>
          %dma_start3A_109 = tpu.memref_squeeze %dma_start3A_108 : memref<1x128xi32, #tpu.memory_space<vmem>> -> memref<128xi32, #tpu.memory_space<vmem>>
          %dma_start3A_110 = arith.constant 0 : i32
          %dma_start3A_111 = arith.constant 0 : i32
          %dma_start3A_112 = tpu.memref_slice %arg17[%dma_start3A_110, %dma_start3A_111] : memref<50176x32xf32, #tpu.memory_space<vmem_shared>> -> memref<50176x32xf32, #tpu.memory_space<vmem_shared>>
          tpu.enqueue_indirect_dma source(%arg10 : memref<128x32xf32, #tpu.memory_space<vmem>>) target(%dma_start3A_112 : memref<50176x32xf32, #tpu.memory_space<vmem_shared>>) offsets(%dma_start3A_109 : memref<128xi32, #tpu.memory_space<vmem>>) semaphore(%run_scoped3A : memref<!tpu.dma_semaphore, #tpu.memory_space<semaphore_mem>>) {add = true}
          %dma_wait3A_113 = arith.constant 0 : i32
          %dma_wait3A_114 = tpu.memref_slice %arg8[%add3A_85, %dma_wait3A_113] : memref<28x128xi32, #tpu.memory_space<vmem>> -> memref<1x128xi32, #tpu.memory_space<vmem>>
          %dma_wait3A_115 = tpu.memref_squeeze %dma_wait3A_114 : memref<1x128xi32, #tpu.memory_space<vmem>> -> memref<128xi32, #tpu.memory_space<vmem>>
          %dma_wait3A_116 = arith.constant 0 : i32
          %dma_wait3A_117 = arith.constant 0 : i32
          %dma_wait3A_118 = tpu.memref_slice %arg17[%dma_wait3A_116, %dma_wait3A_117] : memref<50176x32xf32, #tpu.memory_space<vmem_shared>> -> memref<50176x32xf32, #tpu.memory_space<vmem_shared>>
          tpu.wait_indirect_dma semaphore(%run_scoped3A : memref<!tpu.dma_semaphore, #tpu.memory_space<semaphore_mem>>) src(%arg10 : memref<128x32xf32, #tpu.memory_space<vmem>>) dst(%dma_wait3A_118 : memref<50176x32xf32, #tpu.memory_space<vmem_shared>>)
          tpu.yield
        }) : () -> ()
        %dma_wait3A_86 = arith.constant 0 : i32
        %dma_wait3A_87 = tpu.memref_slice %arg7[%add3A_52, %dma_wait3A_86] : memref<28x128xi32, #tpu.memory_space<vmem>> -> memref<1x128xi32, #tpu.memory_space<vmem>>
        %dma_wait3A_88 = tpu.memref_squeeze %dma_wait3A_87 : memref<1x128xi32, #tpu.memory_space<vmem>> -> memref<128xi32, #tpu.memory_space<vmem>>
        %dma_wait3A_89 = arith.constant 0 : i32
        %dma_wait3A_90 = arith.constant 0 : i32
        %dma_wait3A_91 = tpu.memref_slice %arg4[%dma_wait3A_89, %dma_wait3A_90] : memref<50176x32xf32, #tpu.memory_space<hbm>> -> memref<50176x32xf32, #tpu.memory_space<hbm>>
        tpu.wait_indirect_dma semaphore(%arg15 : memref<!tpu.dma_semaphore, #tpu.memory_space<semaphore_mem>>) src(%dma_wait3A_91 : memref<50176x32xf32, #tpu.memory_space<hbm>>) dst(%arg11 : memref<128x32xf32, #tpu.memory_space<vmem>>)
        %mul3A_92 = arith.constant 4 : i32
        %mul3A_93 = arith.muli %mul3A_92, %scan3A_30 : i32
        %add3A_94 = arith.constant 2 : i32
        %add3A_95 = arith.addi %mul3A_93, %add3A_94 : i32
        "tpu.region"() ({
          %run_scoped3A = tpu.sem_alloc : memref<!tpu.dma_semaphore, #tpu.memory_space<semaphore_mem>>
          %dma_start3A_107 = arith.constant 0 : i32
          %dma_start3A_108 = tpu.memref_slice %arg8[%add3A_95, %dma_start3A_107] : memref<28x128xi32, #tpu.memory_space<vmem>> -> memref<1x128xi32, #tpu.memory_space<vmem>>
          %dma_start3A_109 = tpu.memref_squeeze %dma_start3A_108 : memref<1x128xi32, #tpu.memory_space<vmem>> -> memref<128xi32, #tpu.memory_space<vmem>>
          %dma_start3A_110 = arith.constant 0 : i32
          %dma_start3A_111 = arith.constant 0 : i32
          %dma_start3A_112 = tpu.memref_slice %arg17[%dma_start3A_110, %dma_start3A_111] : memref<50176x32xf32, #tpu.memory_space<vmem_shared>> -> memref<50176x32xf32, #tpu.memory_space<vmem_shared>>
          tpu.enqueue_indirect_dma source(%arg11 : memref<128x32xf32, #tpu.memory_space<vmem>>) target(%dma_start3A_112 : memref<50176x32xf32, #tpu.memory_space<vmem_shared>>) offsets(%dma_start3A_109 : memref<128xi32, #tpu.memory_space<vmem>>) semaphore(%run_scoped3A : memref<!tpu.dma_semaphore, #tpu.memory_space<semaphore_mem>>) {add = true}
          %dma_wait3A_113 = arith.constant 0 : i32
          %dma_wait3A_114 = tpu.memref_slice %arg8[%add3A_95, %dma_wait3A_113] : memref<28x128xi32, #tpu.memory_space<vmem>> -> memref<1x128xi32, #tpu.memory_space<vmem>>
          %dma_wait3A_115 = tpu.memref_squeeze %dma_wait3A_114 : memref<1x128xi32, #tpu.memory_space<vmem>> -> memref<128xi32, #tpu.memory_space<vmem>>
          %dma_wait3A_116 = arith.constant 0 : i32
          %dma_wait3A_117 = arith.constant 0 : i32
          %dma_wait3A_118 = tpu.memref_slice %arg17[%dma_wait3A_116, %dma_wait3A_117] : memref<50176x32xf32, #tpu.memory_space<vmem_shared>> -> memref<50176x32xf32, #tpu.memory_space<vmem_shared>>
          tpu.wait_indirect_dma semaphore(%run_scoped3A : memref<!tpu.dma_semaphore, #tpu.memory_space<semaphore_mem>>) src(%arg11 : memref<128x32xf32, #tpu.memory_space<vmem>>) dst(%dma_wait3A_118 : memref<50176x32xf32, #tpu.memory_space<vmem_shared>>)
          tpu.yield
        }) : () -> ()
        %dma_wait3A_96 = arith.constant 0 : i32
        %dma_wait3A_97 = tpu.memref_slice %arg7[%add3A_62, %dma_wait3A_96] : memref<28x128xi32, #tpu.memory_space<vmem>> -> memref<1x128xi32, #tpu.memory_space<vmem>>
        %dma_wait3A_98 = tpu.memref_squeeze %dma_wait3A_97 : memref<1x128xi32, #tpu.memory_space<vmem>> -> memref<128xi32, #tpu.memory_space<vmem>>
        %dma_wait3A_99 = arith.constant 0 : i32
        %dma_wait3A_100 = arith.constant 0 : i32
        %dma_wait3A_101 = tpu.memref_slice %arg4[%dma_wait3A_99, %dma_wait3A_100] : memref<50176x32xf32, #tpu.memory_space<hbm>> -> memref<50176x32xf32, #tpu.memory_space<hbm>>
        tpu.wait_indirect_dma semaphore(%arg16 : memref<!tpu.dma_semaphore, #tpu.memory_space<semaphore_mem>>) src(%dma_wait3A_101 : memref<50176x32xf32, #tpu.memory_space<hbm>>) dst(%arg12 : memref<128x32xf32, #tpu.memory_space<vmem>>)
        %mul3A_102 = arith.constant 4 : i32
        %mul3A_103 = arith.muli %mul3A_102, %scan3A_30 : i32
        %add3A_104 = arith.constant 3 : i32
        %add3A_105 = arith.addi %mul3A_103, %add3A_104 : i32
        "tpu.region"() ({
          %run_scoped3A = tpu.sem_alloc : memref<!tpu.dma_semaphore, #tpu.memory_space<semaphore_mem>>
          %dma_start3A_107 = arith.constant 0 : i32
          %dma_start3A_108 = tpu.memref_slice %arg8[%add3A_105, %dma_start3A_107] : memref<28x128xi32, #tpu.memory_space<vmem>> -> memref<1x128xi32, #tpu.memory_space<vmem>>
          %dma_start3A_109 = tpu.memref_squeeze %dma_start3A_108 : memref<1x128xi32, #tpu.memory_space<vmem>> -> memref<128xi32, #tpu.memory_space<vmem>>
          %dma_start3A_110 = arith.constant 0 : i32
          %dma_start3A_111 = arith.constant 0 : i32
          %dma_start3A_112 = tpu.memref_slice %arg17[%dma_start3A_110, %dma_start3A_111] : memref<50176x32xf32, #tpu.memory_space<vmem_shared>> -> memref<50176x32xf32, #tpu.memory_space<vmem_shared>>
          tpu.enqueue_indirect_dma source(%arg12 : memref<128x32xf32, #tpu.memory_space<vmem>>) target(%dma_start3A_112 : memref<50176x32xf32, #tpu.memory_space<vmem_shared>>) offsets(%dma_start3A_109 : memref<128xi32, #tpu.memory_space<vmem>>) semaphore(%run_scoped3A : memref<!tpu.dma_semaphore, #tpu.memory_space<semaphore_mem>>) {add = true}
          %dma_wait3A_113 = arith.constant 0 : i32
          %dma_wait3A_114 = tpu.memref_slice %arg8[%add3A_105, %dma_wait3A_113] : memref<28x128xi32, #tpu.memory_space<vmem>> -> memref<1x128xi32, #tpu.memory_space<vmem>>
          %dma_wait3A_115 = tpu.memref_squeeze %dma_wait3A_114 : memref<1x128xi32, #tpu.memory_space<vmem>> -> memref<128xi32, #tpu.memory_space<vmem>>
          %dma_wait3A_116 = arith.constant 0 : i32
          %dma_wait3A_117 = arith.constant 0 : i32
          %dma_wait3A_118 = tpu.memref_slice %arg17[%dma_wait3A_116, %dma_wait3A_117] : memref<50176x32xf32, #tpu.memory_space<vmem_shared>> -> memref<50176x32xf32, #tpu.memory_space<vmem_shared>>
          tpu.wait_indirect_dma semaphore(%run_scoped3A : memref<!tpu.dma_semaphore, #tpu.memory_space<semaphore_mem>>) src(%arg12 : memref<128x32xf32, #tpu.memory_space<vmem>>) dst(%dma_wait3A_118 : memref<50176x32xf32, #tpu.memory_space<vmem_shared>>)
          tpu.yield
        }) : () -> ()
        %scan3A_106 = arith.constant 0 : i32
        scf.yield %scan3A_106 : i32
      }
      %scan3A_28 = arith.constant 7 : i32
      %scan3A_29 = arith.constant 0 : i32
      scf.yield %scan3A_29 : i32
    }
    %scan3A_10 = arith.constant 7 : i32
    %barrier3A_11 = arith.constant 0 : index
    tpu.barrier barrier_id(%barrier3A_11)
    %mul3A_12 = arith.constant 3136 : i32
    %mul3A_13 = arith.muli %arg1, %mul3A_12 : i32
    %mul3A_14 = arith.constant 3136 : i32
    %mul3A_15 = arith.muli %arg1, %mul3A_14 : i32
    "tpu.region"() ({
      %run_scoped3A = tpu.sem_alloc : memref<!tpu.dma_semaphore, #tpu.memory_space<semaphore_mem>>
      %dma_start3A = arith.constant 0 : i32
      %dma_start3A_16 = tpu.memref_slice %arg6[%arg0, %mul3A_15, %dma_start3A] : memref<2x50176x32xf32, #tpu.memory_space<hbm>> -> memref<1x3136x32xf32, #tpu.memory_space<hbm>>
      %dma_start3A_17 = tpu.memref_squeeze %dma_start3A_16 : memref<1x3136x32xf32, #tpu.memory_space<hbm>> -> memref<3136x32xf32, #tpu.memory_space<hbm>>
      %dma_start3A_18 = arith.constant 0 : i32
      %dma_start3A_19 = tpu.memref_slice %arg17[%mul3A_13, %dma_start3A_18] : memref<50176x32xf32, #tpu.memory_space<vmem_shared>> -> memref<3136x32xf32, #tpu.memory_space<vmem_shared>>
      tpu.enqueue_dma source(%dma_start3A_19 : memref<3136x32xf32, #tpu.memory_space<vmem_shared>>) target(%dma_start3A_17 : memref<3136x32xf32, #tpu.memory_space<hbm>>) target_semaphore(%run_scoped3A : memref<!tpu.dma_semaphore, #tpu.memory_space<semaphore_mem>>)
      %dma_wait3A = arith.constant 0 : i32
      %dma_wait3A_20 = tpu.memref_slice %arg6[%arg0, %mul3A_15, %dma_wait3A] : memref<2x50176x32xf32, #tpu.memory_space<hbm>> -> memref<1x3136x32xf32, #tpu.memory_space<hbm>>
      %dma_wait3A_21 = tpu.memref_squeeze %dma_wait3A_20 : memref<1x3136x32xf32, #tpu.memory_space<hbm>> -> memref<3136x32xf32, #tpu.memory_space<hbm>>
      %dma_wait3A_22 = arith.constant 0 : i32
      %dma_wait3A_23 = tpu.memref_slice %arg17[%mul3A_13, %dma_wait3A_22] : memref<50176x32xf32, #tpu.memory_space<vmem_shared>> -> memref<3136x32xf32, #tpu.memory_space<vmem_shared>>
      tpu.wait_dma2 semaphore(%run_scoped3A : memref<!tpu.dma_semaphore, #tpu.memory_space<semaphore_mem>>) src(%dma_wait3A_23 : memref<3136x32xf32, #tpu.memory_space<vmem_shared>>) dst(%dma_wait3A_21 : memref<3136x32xf32, #tpu.memory_space<hbm>>)
      tpu.yield
    }) : () -> ()
    return
  }
}

module attributes {stable_mosaic.version = 14 : i64} {
  func.func @_tc_a_body(%arg0: i32, %arg1: memref<3136x58xf32, #tpu.memory_space<vmem>>, %arg2: memref<58x64xf32, #tpu.memory_space<vmem>>, %arg3: memref<3136x64xf32, #tpu.memory_space<vmem>>) attributes {dimension_semantics = [#tpu.dimension_semantics<arbitrary>], iteration_bounds = array<i64: 16>, scalar_prefetch = 0 : i64, scratch_operands = 0 : i64, tpu.core_type = #tpu.core_type<tc>, window_params = [{transform_indices = @transform_0, window_bounds = array<i64: 3136, 58>}, {pipeline_mode = #tpu.pipeline_mode<synchronous>, transform_indices = @transform_1, window_bounds = array<i64: 58, 64>}, {transform_indices = @transform_2, window_bounds = array<i64: 3136, 64>}]} {
    %get3A = arith.constant 0 : index
    %get3A_0 = arith.constant 0 : index
    %get3A_1 = vector.load %arg1[%get3A, %get3A_0] : memref<3136x58xf32, #tpu.memory_space<vmem>>, vector<3136x58xf32>
    %get3A_2 = arith.constant 0 : index
    %get3A_3 = arith.constant 0 : index
    %get3A_4 = vector.load %arg2[%get3A_2, %get3A_3] : memref<58x64xf32, #tpu.memory_space<vmem>>, vector<58x64xf32>
    %dot_general3A = arith.constant dense<0.000000e+00> : vector<3136x64xf32>
    %dot_general3A_5 = tpu.matmul %get3A_1, %get3A_4, %dot_general3A {dimension_numbers = #tpu.dot_dimension_numbers<[1], [0], [0], [1], [0, 0, 1, 1], [], []>, transpose_lhs_hint = false} : vector<3136x58xf32>, vector<58x64xf32>, vector<3136x64xf32> -> vector<3136x64xf32>
    %swap3A = arith.constant 0 : index
    %swap3A_6 = arith.constant 0 : index
    %swap3A_7 = vector.load %arg3[%swap3A, %swap3A_6] : memref<3136x64xf32, #tpu.memory_space<vmem>>, vector<3136x64xf32>
    tpu.vector_store %arg3[%swap3A, %swap3A_6], %dot_general3A_5 {strides = array<i32>} : memref<3136x64xf32, #tpu.memory_space<vmem>>, vector<3136x64xf32>,
    return
  }
  func.func @transform_0(%arg0: i32) -> (i32, i32) {
    %c0_i32 = arith.constant 0 : i32
    %c0_i32_0 = arith.constant 0 : i32
    return %arg0, %c0_i32 : i32, i32
  }
  func.func @transform_1(%arg0: i32) -> (i32, i32) {
    %c0_i32 = arith.constant 0 : i32
    %c0_i32_0 = arith.constant 0 : i32
    %c0_i32_1 = arith.constant 0 : i32
    return %c0_i32, %c0_i32_0 : i32, i32
  }
  func.func @transform_2(%arg0: i32) -> (i32, i32) {
    %c0_i32 = arith.constant 0 : i32
    %c0_i32_0 = arith.constant 0 : i32
    return %arg0, %c0_i32 : i32, i32
  }
}

module attributes {stable_mosaic.version = 14 : i64} {
  func.func @_tc_b_body(%arg0: i32, %arg1: memref<3136x64xf32, #tpu.memory_space<vmem>>, %arg2: memref<2x3136x1xf32, #tpu.memory_space<vmem>>, %arg3: memref<3136x32xf32, #tpu.memory_space<vmem>>) attributes {dimension_semantics = [#tpu.dimension_semantics<arbitrary>], iteration_bounds = array<i64: 16>, scalar_prefetch = 0 : i64, scratch_operands = 0 : i64, tpu.core_type = #tpu.core_type<tc>, window_params = [{transform_indices = @transform_0, window_bounds = array<i64: 3136, 64>}, {transform_indices = @transform_1, window_bounds = array<i64: 2, 3136, 1>}, {transform_indices = @transform_2, window_bounds = array<i64: 3136, 32>}]} {
    %get3A = arith.constant 0 : index
    %get3A_0 = arith.constant 0 : index
    %get3A_1 = arith.constant 0 : index
    %get3A_2 = vector.load %arg2[%get3A, %get3A_0, %get3A_1] : memref<2x3136x1xf32, #tpu.memory_space<vmem>>, vector<1x3136x1xf32>
    %get3A_3 = vector.shape_cast %get3A_2 : vector<1x3136x1xf32> to vector<3136xf32>
    %get3A_4 = arith.constant 1 : index
    %get3A_5 = arith.constant 0 : index
    %get3A_6 = arith.constant 0 : index
    %get3A_7 = vector.load %arg2[%get3A_4, %get3A_5, %get3A_6] : memref<2x3136x1xf32, #tpu.memory_space<vmem>>, vector<1x3136x1xf32>
    %get3A_8 = vector.shape_cast %get3A_7 : vector<1x3136x1xf32> to vector<3136xf32>
    %add3A = arith.addf %get3A_3, %get3A_8 : vector<3136xf32>
    %gt3A = arith.constant 0.000000e+00 : f32
    %gt3A_9 = vector.broadcast %gt3A : f32 to vector<3136xf32>
    %gt3A_10 = arith.cmpf ogt, %add3A, %gt3A_9 : vector<3136xf32>
    %max3A = arith.constant 9.99999996E-13 : f32
    %max3A_11 = vector.broadcast %max3A : f32 to vector<3136xf32>
    %max3A_12 = arith.maximumf %add3A, %max3A_11 : vector<3136xf32>
    %rsqrt3A = math.rsqrt %max3A_12 : vector<3136xf32>
    %jit3A = arith.constant 0.000000e+00 : f32
    %broadcast_in_dim3A = vector.broadcast %jit3A : f32 to vector<3136xf32>
    %select_n3A = arith.select %gt3A_10, %rsqrt3A, %broadcast_in_dim3A : vector<3136xi1>, vector<3136xf32>
    %get3A_13 = arith.constant 0 : index
    %get3A_14 = arith.constant 0 : index
    %get3A_15 = vector.load %arg1[%get3A_13, %get3A_14] : memref<3136x64xf32, #tpu.memory_space<vmem>>, vector<3136x32xf32>
    %broadcast_in_dim3A_16 = vector.shape_cast %select_n3A : vector<3136xf32> to vector<3136x1xf32>
    %mul3A = vector.broadcast %broadcast_in_dim3A_16 : vector<3136x1xf32> to vector<3136x32xf32>
    %mul3A_17 = arith.mulf %get3A_15, %mul3A : vector<3136x32xf32>
    %swap3A = arith.constant 0 : index
    %swap3A_18 = arith.constant 0 : index
    %swap3A_19 = vector.load %arg3[%swap3A, %swap3A_18] : memref<3136x32xf32, #tpu.memory_space<vmem>>, vector<3136x32xf32>
    tpu.vector_store %arg3[%swap3A, %swap3A_18], %mul3A_17 {strides = array<i32>} : memref<3136x32xf32, #tpu.memory_space<vmem>>, vector<3136x32xf32>,
    return
  }
  func.func @transform_0(%arg0: i32) -> (i32, i32) {
    %c0_i32 = arith.constant 0 : i32
    %c0_i32_0 = arith.constant 0 : i32
    return %arg0, %c0_i32 : i32, i32
  }
  func.func @transform_1(%arg0: i32) -> (i32, i32, i32) {
    %c0_i32 = arith.constant 0 : i32
    %c0_i32_0 = arith.constant 0 : i32
    %c0_i32_1 = arith.constant 0 : i32
    return %c0_i32, %arg0, %c0_i32_0 : i32, i32, i32
  }
  func.func @transform_2(%arg0: i32) -> (i32, i32) {
    %c0_i32 = arith.constant 0 : i32
    %c0_i32_0 = arith.constant 0 : i32
    return %arg0, %c0_i32 : i32, i32
  }
}

module attributes {stable_mosaic.version = 14 : i64} {
  func.func @_tc_c_body(%arg0: i32, %arg1: memref<2x3136x32xf32, #tpu.memory_space<vmem>>, %arg2: memref<3136x64xf32, #tpu.memory_space<vmem>>, %arg3: memref<2x3136x1xf32, #tpu.memory_space<vmem>>, %arg4: memref<2x16xf32, #tpu.memory_space<vmem>>, %arg5: memref<16x4xf32, #tpu.memory_space<vmem>>, %arg6: memref<3136x8xf32, #tpu.memory_space<vmem>>, %arg7: memref<3136x2xf32, #tpu.memory_space<vmem>>) attributes {dimension_semantics = [#tpu.dimension_semantics<arbitrary>], iteration_bounds = array<i64: 16>, scalar_prefetch = 0 : i64, scratch_operands = 0 : i64, tpu.core_type = #tpu.core_type<tc>, window_params = [{transform_indices = @transform_0, window_bounds = array<i64: 2, 3136, 32>}, {transform_indices = @transform_1, window_bounds = array<i64: 3136, 64>}, {transform_indices = @transform_2, window_bounds = array<i64: 2, 3136, 1>}, {pipeline_mode = #tpu.pipeline_mode<synchronous>, transform_indices = @transform_3, window_bounds = array<i64: 2, 16>}, {pipeline_mode = #tpu.pipeline_mode<synchronous>, transform_indices = @transform_4, window_bounds = array<i64: 16, 4>}, {transform_indices = @transform_5, window_bounds = array<i64: 3136, 8>}, {transform_indices = @transform_6, window_bounds = array<i64: 3136, 2>}]} {
    %get3A = arith.constant 0 : index
    %get3A_0 = arith.constant 0 : index
    %get3A_1 = arith.constant 0 : index
    %get3A_2 = vector.load %arg3[%get3A, %get3A_0, %get3A_1] : memref<2x3136x1xf32, #tpu.memory_space<vmem>>, vector<1x3136x1xf32>
    %get3A_3 = vector.shape_cast %get3A_2 : vector<1x3136x1xf32> to vector<3136xf32>
    %get3A_4 = arith.constant 1 : index
    %get3A_5 = arith.constant 0 : index
    %get3A_6 = arith.constant 0 : index
    %get3A_7 = vector.load %arg3[%get3A_4, %get3A_5, %get3A_6] : memref<2x3136x1xf32, #tpu.memory_space<vmem>>, vector<1x3136x1xf32>
    %get3A_8 = vector.shape_cast %get3A_7 : vector<1x3136x1xf32> to vector<3136xf32>
    %add3A = arith.addf %get3A_3, %get3A_8 : vector<3136xf32>
    %gt3A = arith.constant 0.000000e+00 : f32
    %gt3A_9 = vector.broadcast %gt3A : f32 to vector<3136xf32>
    %gt3A_10 = arith.cmpf ogt, %add3A, %gt3A_9 : vector<3136xf32>
    %max3A = arith.constant 9.99999996E-13 : f32
    %max3A_11 = vector.broadcast %max3A : f32 to vector<3136xf32>
    %max3A_12 = arith.maximumf %add3A, %max3A_11 : vector<3136xf32>
    %rsqrt3A = math.rsqrt %max3A_12 : vector<3136xf32>
    %jit3A = arith.constant 0.000000e+00 : f32
    %broadcast_in_dim3A = vector.broadcast %jit3A : f32 to vector<3136xf32>
    %select_n3A = arith.select %gt3A_10, %rsqrt3A, %broadcast_in_dim3A : vector<3136xi1>, vector<3136xf32>
    %get3A_13 = arith.constant 0 : index
    %get3A_14 = arith.constant 0 : index
    %get3A_15 = arith.constant 0 : index
    %get3A_16 = vector.load %arg1[%get3A_13, %get3A_14, %get3A_15] : memref<2x3136x32xf32, #tpu.memory_space<vmem>>, vector<1x3136x32xf32>
    %get3A_17 = vector.shape_cast %get3A_16 : vector<1x3136x32xf32> to vector<3136x32xf32>
    %get3A_18 = arith.constant 1 : index
    %get3A_19 = arith.constant 0 : index
    %get3A_20 = arith.constant 0 : index
    %get3A_21 = vector.load %arg1[%get3A_18, %get3A_19, %get3A_20] : memref<2x3136x32xf32, #tpu.memory_space<vmem>>, vector<1x3136x32xf32>
    %get3A_22 = vector.shape_cast %get3A_21 : vector<1x3136x32xf32> to vector<3136x32xf32>
    %add3A_23 = arith.addf %get3A_17, %get3A_22 : vector<3136x32xf32>
    %broadcast_in_dim3A_24 = vector.shape_cast %select_n3A : vector<3136xf32> to vector<3136x1xf32>
    %mul3A = vector.broadcast %broadcast_in_dim3A_24 : vector<3136x1xf32> to vector<3136x32xf32>
    %mul3A_25 = arith.mulf %add3A_23, %mul3A : vector<3136x32xf32>
    %slice3A = vector.extract_strided_slice %mul3A_25 {offsets = [0, 0], sizes = [3136, 16], strides = [1, 1]} : vector<3136x32xf32> to vector<3136x16xf32>
    %get3A_26 = arith.constant 0 : index
    %get3A_27 = arith.constant 32 : index
    %get3A_28 = vector.load %arg2[%get3A_26, %get3A_27] : memref<3136x64xf32, #tpu.memory_space<vmem>>, vector<3136x16xf32>
    %add3A_29 = arith.addf %slice3A, %get3A_28 : vector<3136x16xf32>
    %get3A_30 = arith.constant 0 : index
    %get3A_31 = arith.constant 0 : index
    %get3A_32 = vector.load %arg4[%get3A_30, %get3A_31] : memref<2x16xf32, #tpu.memory_space<vmem>>, vector<1x16xf32>
    %get3A_33 = vector.shape_cast %get3A_32 : vector<1x16xf32> to vector<16xf32>
    %broadcast_in_dim3A_34 = vector.shape_cast %get3A_33 : vector<16xf32> to vector<1x16xf32>
    %add3A_35 = vector.broadcast %broadcast_in_dim3A_34 : vector<1x16xf32> to vector<3136x16xf32>
    %add3A_36 = arith.addf %add3A_29, %add3A_35 : vector<3136x16xf32>
    %slice3A_37 = vector.extract_strided_slice %mul3A_25 {offsets = [0, 16], sizes = [3136, 16], strides = [1, 1]} : vector<3136x32xf32> to vector<3136x16xf32>
    %get3A_38 = arith.constant 0 : index
    %get3A_39 = arith.constant 48 : index
    %get3A_40 = vector.load %arg2[%get3A_38, %get3A_39] : memref<3136x64xf32, #tpu.memory_space<vmem>>, vector<3136x16xf32>
    %add3A_41 = arith.addf %slice3A_37, %get3A_40 : vector<3136x16xf32>
    %get3A_42 = arith.constant 1 : index
    %get3A_43 = arith.constant 0 : index
    %get3A_44 = vector.load %arg4[%get3A_42, %get3A_43] : memref<2x16xf32, #tpu.memory_space<vmem>>, vector<1x16xf32>
    %get3A_45 = vector.shape_cast %get3A_44 : vector<1x16xf32> to vector<16xf32>
    %broadcast_in_dim3A_46 = vector.shape_cast %get3A_45 : vector<16xf32> to vector<1x16xf32>
    %add3A_47 = vector.broadcast %broadcast_in_dim3A_46 : vector<1x16xf32> to vector<3136x16xf32>
    %add3A_48 = arith.addf %add3A_41, %add3A_47 : vector<3136x16xf32>
    %max3A_49 = arith.constant 0.000000e+00 : f32
    %max3A_50 = vector.broadcast %max3A_49 : f32 to vector<3136x16xf32>
    %max3A_51 = arith.maximumf %add3A_36, %max3A_50 : vector<3136x16xf32>
    %max3A_52 = arith.constant 0.000000e+00 : f32
    %max3A_53 = vector.broadcast %max3A_52 : f32 to vector<3136x16xf32>
    %max3A_54 = arith.maximumf %add3A_48, %max3A_53 : vector<3136x16xf32>
    %add3A_55 = arith.addf %max3A_51, %max3A_54 : vector<3136x16xf32>
    %mul3A_56 = arith.constant 5.000000e-01 : f32
    %mul3A_57 = vector.broadcast %mul3A_56 : f32 to vector<3136x16xf32>
    %mul3A_58 = arith.mulf %mul3A_57, %add3A_55 : vector<3136x16xf32>
    %max3A_59 = arith.constant 0.000000e+00 : f32
    %max3A_60 = vector.broadcast %max3A_59 : f32 to vector<3136x16xf32>
    %max3A_61 = arith.maximumf %mul3A_58, %max3A_60 : vector<3136x16xf32>
    %get3A_62 = arith.constant 0 : index
    %get3A_63 = arith.constant 0 : index
    %get3A_64 = vector.load %arg5[%get3A_62, %get3A_63] : memref<16x4xf32, #tpu.memory_space<vmem>>, vector<16x4xf32>
    %dot_general3A = arith.constant dense<0.000000e+00> : vector<3136x4xf32>
    %dot_general3A_65 = tpu.matmul %max3A_61, %get3A_64, %dot_general3A {dimension_numbers = #tpu.dot_dimension_numbers<[1], [0], [0], [1], [0, 0, 1, 1], [], []>, transpose_lhs_hint = false} : vector<3136x16xf32>, vector<16x4xf32>, vector<3136x4xf32> -> vector<3136x4xf32>
    %slice3A_66 = vector.extract_strided_slice %dot_general3A_65 {offsets = [0, 0], sizes = [3136, 2], strides = [1, 1]} : vector<3136x4xf32> to vector<3136x2xf32>
    %broadcast_in_dim3A_67 = vector.shape_cast %select_n3A : vector<3136xf32> to vector<3136x1xf32>
    %mul3A_68 = vector.broadcast %broadcast_in_dim3A_67 : vector<3136x1xf32> to vector<3136x2xf32>
    %mul3A_69 = arith.mulf %slice3A_66, %mul3A_68 : vector<3136x2xf32>
    %jit3A_70 = arith.constant 0 : i32
    %convert_element_type3A = arith.sitofp %jit3A_70 : i32 to f32
    %pad3A = vector.broadcast %convert_element_type3A : f32 to vector<3136x6xf32>
    %pad3A_71 = tpu.concatenate %mul3A_69, %pad3A in 1 : vector<3136x2xf32>, vector<3136x6xf32> -> vector<3136x8xf32>
    %swap3A = arith.constant 0 : index
    %swap3A_72 = arith.constant 0 : index
    %swap3A_73 = vector.load %arg6[%swap3A, %swap3A_72] : memref<3136x8xf32, #tpu.memory_space<vmem>>, vector<3136x8xf32>
    tpu.vector_store %arg6[%swap3A, %swap3A_72], %pad3A_71 {strides = array<i32>} : memref<3136x8xf32, #tpu.memory_space<vmem>>, vector<3136x8xf32>,
    %slice3A_74 = vector.extract_strided_slice %dot_general3A_65 {offsets = [0, 2], sizes = [3136, 2], strides = [1, 1]} : vector<3136x4xf32> to vector<3136x2xf32>
    %swap3A_75 = arith.constant 0 : index
    %swap3A_76 = arith.constant 0 : index
    %swap3A_77 = vector.load %arg7[%swap3A_75, %swap3A_76] : memref<3136x2xf32, #tpu.memory_space<vmem>>, vector<3136x2xf32>
    tpu.vector_store %arg7[%swap3A_75, %swap3A_76], %slice3A_74 {strides = array<i32>} : memref<3136x2xf32, #tpu.memory_space<vmem>>, vector<3136x2xf32>,
    return
  }
  func.func @transform_0(%arg0: i32) -> (i32, i32, i32) {
    %c0_i32 = arith.constant 0 : i32
    %c0_i32_0 = arith.constant 0 : i32
    %c0_i32_1 = arith.constant 0 : i32
    return %c0_i32, %arg0, %c0_i32_0 : i32, i32, i32
  }
  func.func @transform_1(%arg0: i32) -> (i32, i32) {
    %c0_i32 = arith.constant 0 : i32
    %c0_i32_0 = arith.constant 0 : i32
    return %arg0, %c0_i32 : i32, i32
  }
  func.func @transform_2(%arg0: i32) -> (i32, i32, i32) {
    %c0_i32 = arith.constant 0 : i32
    %c0_i32_0 = arith.constant 0 : i32
    %c0_i32_1 = arith.constant 0 : i32
    return %c0_i32, %arg0, %c0_i32_0 : i32, i32, i32
  }
  func.func @transform_3(%arg0: i32) -> (i32, i32) {
    %c0_i32 = arith.constant 0 : i32
    %c0_i32_0 = arith.constant 0 : i32
    %c0_i32_1 = arith.constant 0 : i32
    return %c0_i32, %c0_i32_0 : i32, i32
  }
  func.func @transform_4(%arg0: i32) -> (i32, i32) {
    %c0_i32 = arith.constant 0 : i32
    %c0_i32_0 = arith.constant 0 : i32
    %c0_i32_1 = arith.constant 0 : i32
    return %c0_i32, %c0_i32_0 : i32, i32
  }
  func.func @transform_5(%arg0: i32) -> (i32, i32) {
    %c0_i32 = arith.constant 0 : i32
    %c0_i32_0 = arith.constant 0 : i32
    return %arg0, %c0_i32 : i32, i32
  }
  func.func @transform_6(%arg0: i32) -> (i32, i32) {
    %c0_i32 = arith.constant 0 : i32
    %c0_i32_0 = arith.constant 0 : i32
    return %arg0, %c0_i32 : i32, i32
  }
}

module attributes {stable_mosaic.version = 14 : i64} {
  func.func @_tc_d_body(%arg0: i32, %arg1: memref<2x3136x8xf32, #tpu.memory_space<vmem>>, %arg2: memref<2x3136x1xf32, #tpu.memory_space<vmem>>, %arg3: memref<3136x2xf32, #tpu.memory_space<vmem>>, %arg4: memref<2x1xf32, #tpu.memory_space<vmem>>, %arg5: memref<3136x1xf32, #tpu.memory_space<vmem>>) attributes {dimension_semantics = [#tpu.dimension_semantics<arbitrary>], iteration_bounds = array<i64: 16>, scalar_prefetch = 0 : i64, scratch_operands = 0 : i64, tpu.core_type = #tpu.core_type<tc>, window_params = [{transform_indices = @transform_0, window_bounds = array<i64: 2, 3136, 8>}, {transform_indices = @transform_1, window_bounds = array<i64: 2, 3136, 1>}, {transform_indices = @transform_2, window_bounds = array<i64: 3136, 2>}, {pipeline_mode = #tpu.pipeline_mode<synchronous>, transform_indices = @transform_3, window_bounds = array<i64: 2, 1>}, {transform_indices = @transform_4, window_bounds = array<i64: 3136, 1>}]} {
    %get3A = arith.constant 0 : index
    %get3A_0 = arith.constant 0 : index
    %get3A_1 = arith.constant 0 : index
    %get3A_2 = vector.load %arg2[%get3A, %get3A_0, %get3A_1] : memref<2x3136x1xf32, #tpu.memory_space<vmem>>, vector<1x3136x1xf32>
    %get3A_3 = vector.shape_cast %get3A_2 : vector<1x3136x1xf32> to vector<3136xf32>
    %get3A_4 = arith.constant 1 : index
    %get3A_5 = arith.constant 0 : index
    %get3A_6 = arith.constant 0 : index
    %get3A_7 = vector.load %arg2[%get3A_4, %get3A_5, %get3A_6] : memref<2x3136x1xf32, #tpu.memory_space<vmem>>, vector<1x3136x1xf32>
    %get3A_8 = vector.shape_cast %get3A_7 : vector<1x3136x1xf32> to vector<3136xf32>
    %add3A = arith.addf %get3A_3, %get3A_8 : vector<3136xf32>
    %gt3A = arith.constant 0.000000e+00 : f32
    %gt3A_9 = vector.broadcast %gt3A : f32 to vector<3136xf32>
    %gt3A_10 = arith.cmpf ogt, %add3A, %gt3A_9 : vector<3136xf32>
    %max3A = arith.constant 9.99999996E-13 : f32
    %max3A_11 = vector.broadcast %max3A : f32 to vector<3136xf32>
    %max3A_12 = arith.maximumf %add3A, %max3A_11 : vector<3136xf32>
    %rsqrt3A = math.rsqrt %max3A_12 : vector<3136xf32>
    %jit3A = arith.constant 0.000000e+00 : f32
    %broadcast_in_dim3A = vector.broadcast %jit3A : f32 to vector<3136xf32>
    %select_n3A = arith.select %gt3A_10, %rsqrt3A, %broadcast_in_dim3A : vector<3136xi1>, vector<3136xf32>
    %get3A_13 = arith.constant 0 : index
    %get3A_14 = arith.constant 0 : index
    %get3A_15 = arith.constant 0 : index
    %get3A_16 = vector.load %arg1[%get3A_13, %get3A_14, %get3A_15] : memref<2x3136x8xf32, #tpu.memory_space<vmem>>, vector<1x3136x8xf32>
    %get3A_17 = vector.shape_cast %get3A_16 : vector<1x3136x8xf32> to vector<3136x8xf32>
    %get3A_18 = arith.constant 1 : index
    %get3A_19 = arith.constant 0 : index
    %get3A_20 = arith.constant 0 : index
    %get3A_21 = vector.load %arg1[%get3A_18, %get3A_19, %get3A_20] : memref<2x3136x8xf32, #tpu.memory_space<vmem>>, vector<1x3136x8xf32>
    %get3A_22 = vector.shape_cast %get3A_21 : vector<1x3136x8xf32> to vector<3136x8xf32>
    %add3A_23 = arith.addf %get3A_17, %get3A_22 : vector<3136x8xf32>
    %slice3A = vector.extract_strided_slice %add3A_23 {offsets = [0, 0], sizes = [3136, 1], strides = [1, 1]} : vector<3136x8xf32> to vector<3136x1xf32>
    %squeeze3A = vector.shape_cast %slice3A : vector<3136x1xf32> to vector<3136xf32>
    %mul3A = arith.mulf %select_n3A, %squeeze3A : vector<3136xf32>
    %get3A_24 = arith.constant 0 : index
    %get3A_25 = arith.constant 0 : index
    %get3A_26 = vector.load %arg3[%get3A_24, %get3A_25] : memref<3136x2xf32, #tpu.memory_space<vmem>>, vector<3136x1xf32>
    %get3A_27 = vector.shape_cast %get3A_26 : vector<3136x1xf32> to vector<3136xf32>
    %add3A_28 = arith.addf %mul3A, %get3A_27 : vector<3136xf32>
    %get3A_29 = arith.constant 0 : index
    %get3A_30 = arith.constant 0 : index
    %get3A_31 = vector.load %arg4[%get3A_29, %get3A_30] : memref<2x1xf32, #tpu.memory_space<vmem>>, vector<1x1xf32>
    %get3A_32 = vector.extract %get3A_31[0, 0] : f32 from vector<1x1xf32>
    %add3A_33 = vector.broadcast %get3A_32 : f32 to vector<3136xf32>
    %add3A_34 = arith.addf %add3A_28, %add3A_33 : vector<3136xf32>
    %max3A_35 = arith.constant 0.000000e+00 : f32
    %max3A_36 = vector.broadcast %max3A_35 : f32 to vector<3136xf32>
    %max3A_37 = arith.maximumf %add3A_34, %max3A_36 : vector<3136xf32>
    %slice3A_38 = vector.extract_strided_slice %add3A_23 {offsets = [0, 1], sizes = [3136, 1], strides = [1, 1]} : vector<3136x8xf32> to vector<3136x1xf32>
    %squeeze3A_39 = vector.shape_cast %slice3A_38 : vector<3136x1xf32> to vector<3136xf32>
    %mul3A_40 = arith.mulf %select_n3A, %squeeze3A_39 : vector<3136xf32>
    %get3A_41 = arith.constant 0 : index
    %get3A_42 = arith.constant 1 : index
    %get3A_43 = vector.load %arg3[%get3A_41, %get3A_42] : memref<3136x2xf32, #tpu.memory_space<vmem>>, vector<3136x1xf32>
    %get3A_44 = vector.shape_cast %get3A_43 : vector<3136x1xf32> to vector<3136xf32>
    %add3A_45 = arith.addf %mul3A_40, %get3A_44 : vector<3136xf32>
    %get3A_46 = arith.constant 1 : index
    %get3A_47 = arith.constant 0 : index
    %get3A_48 = vector.load %arg4[%get3A_46, %get3A_47] : memref<2x1xf32, #tpu.memory_space<vmem>>, vector<1x1xf32>
    %get3A_49 = vector.extract %get3A_48[0, 0] : f32 from vector<1x1xf32>
    %add3A_50 = vector.broadcast %get3A_49 : f32 to vector<3136xf32>
    %add3A_51 = arith.addf %add3A_45, %add3A_50 : vector<3136xf32>
    %max3A_52 = arith.constant 0.000000e+00 : f32
    %max3A_53 = vector.broadcast %max3A_52 : f32 to vector<3136xf32>
    %max3A_54 = arith.maximumf %add3A_51, %max3A_53 : vector<3136xf32>
    %add3A_55 = arith.addf %max3A_37, %max3A_54 : vector<3136xf32>
    %mul3A_56 = arith.constant 5.000000e-01 : f32
    %mul3A_57 = vector.broadcast %mul3A_56 : f32 to vector<3136xf32>
    %mul3A_58 = arith.mulf %mul3A_57, %add3A_55 : vector<3136xf32>
    %broadcast_in_dim3A_59 = vector.shape_cast %mul3A_58 : vector<3136xf32> to vector<3136x1xf32>
    %swap3A = arith.constant 0 : index
    %swap3A_60 = arith.constant 0 : index
    %swap3A_61 = vector.load %arg5[%swap3A, %swap3A_60] : memref<3136x1xf32, #tpu.memory_space<vmem>>, vector<3136x1xf32>
    tpu.vector_store %arg5[%swap3A, %swap3A_60], %broadcast_in_dim3A_59 {strides = array<i32>} : memref<3136x1xf32, #tpu.memory_space<vmem>>, vector<3136x1xf32>,
    return
  }
  func.func @transform_0(%arg0: i32) -> (i32, i32, i32) {
    %c0_i32 = arith.constant 0 : i32
    %c0_i32_0 = arith.constant 0 : i32
    %c0_i32_1 = arith.constant 0 : i32
    return %c0_i32, %arg0, %c0_i32_0 : i32, i32, i32
  }
  func.func @transform_1(%arg0: i32) -> (i32, i32, i32) {
    %c0_i32 = arith.constant 0 : i32
    %c0_i32_0 = arith.constant 0 : i32
    %c0_i32_1 = arith.constant 0 : i32
    return %c0_i32, %arg0, %c0_i32_0 : i32, i32, i32
  }
  func.func @transform_2(%arg0: i32) -> (i32, i32) {
    %c0_i32 = arith.constant 0 : i32
    %c0_i32_0 = arith.constant 0 : i32
    return %arg0, %c0_i32 : i32, i32
  }
  func.func @transform_3(%arg0: i32) -> (i32, i32) {
    %c0_i32 = arith.constant 0 : i32
    %c0_i32_0 = arith.constant 0 : i32
    %c0_i32_1 = arith.constant 0 : i32
    return %c0_i32, %c0_i32_0 : i32, i32
  }
  func.func @transform_4(%arg0: i32) -> (i32, i32) {
    %c0_i32 = arith.constant 0 : i32
    %c0_i32_0 = arith.constant 0 : i32
    return %arg0, %c0_i32 : i32, i32
  }
}

</mosaic_0001>

<sc_bundles>
// kernel: kernel.12.cloned.1.call-start
scs
__scs_entry_jumppad:
0x0: {  	(pc) =	sbr.rel $0x88, $3  }
0x1: {  	(tag) =	ssettag $0x0;
	lr =	simm.s32 $0x1  }
0x2: {  	[smem:$0x3F99] =	sst lr;
	_ =	strace $0xD0000000  }
0x3: {  	_ = 	snop  }
0x4: {  	_ = 	snop  }
0x5: {  	_ = 	snop  }
0x6: {  	_ = 	snop  }
0x7: {  	_ = 	snop  }
__scs_overlays_trampoline_lowered:
0x8: {  	[smem:$0x3FA8] =	sst s0  }
0x9: {  	[smem:$0x3FA9] =	sst s1  }
0xa: {  	[smem:$0x3FAA] =	sst s2  }
0xb: {  	[smem:$0x3FAB] =	sst s3  }
0xc: {  	[smem:$0x3FAC] =	sst s4  }
0xd: {  	[smem:$0x3FAD] =	sst s5  }
0xe: {  	[smem:$0x3FAE] =	sst s6  }
0xf: {  	[smem:$0x3FAF] =	sst s7  }
0x10: {  	[smem:$0x3FB0] =	sst s8  }
0x11: {  	[smem:$0x3FB1] =	sst s9;
	s0 =	simm.s32 @!p0 $0x0  }
0x12: {  	s1 =	sld [smem:$0x3F97];
	s0 =	simm.s32 @p0 $0x1  }
0x13: {  	[smem:$0x3FB2] =	sst s0;
	s0 =	simm.s32 @!p1 $0x0  }
0x14: {  	s2 =	sld [smem:$0x3F96];
	s0 =	simm.s32 @p1 $0x1  }
0x15: {  	[smem:$0x3FB3] =	sst s0;
	s0 =	simm.s32 @!p2 $0x0  }
0x16: {  	s3 =	sld [smem:$0x3FDB];
	s0 =	simm.s32 @p2 $0x1  }
0x17: {  	s4 =	simm.s32 $0x1BF5;
	[smem:$0x3FB5] =	sst s0  }
0x18: {  	s0 =	sld [smem:$0x3F98];
	_ =	swait.ge [sflag:s4], $0x0  }
0x19: {  	s7 =	sld [smem:$0x3F99]  }
0x1a: {  	s8 =	sadd.s32 $0xFFFFE003, lr  }
0x1b: {  	s9 =	sadd.s32 $0xFFFFFEF7, lr;
	s5 =	simm.s32 $0xFFFFFFFF;
	p2 =	slt.u32 s8, $0xFFFFF086  }
0x1c: {  	p1 =	slt.u32 s9, $0xF7A;
	s5 =	simm.s32 @!p2 $0x0  }
0x1d: {  	s5 =	simm.s32 @p1 $0x1;
	p0 =	seq.s32 s7, s2  }
0x1e: {  	s7 =	smul.u32 @!p0 $0xF7A, s2;
	p2 =	seq.s32 @!p0 s5, $0x0  }
0x1f: {  	s9 =	smul.u32 $0xF7A, s1;
	s8 =	simm.s32 @!p0 $0x1BF5;
	p2 =	por !p2, p0  }
0x20: {  	[sflag:s8] =	ssyncset.s32 @!p0 $0xFFFFF086;
	s6 =	sadd.s32 @!p0 s3, s7;
	s7 =	simm.s32 @!p0 $0x108  }
0x21: {  	s3 =	sadd.s32 s3, s9;
	s6 =	sadd.s32 @!p0 $0x88, s6;
	s7 =	simm.s32 @p2 $0x1082  }
0x22: {  	[simem:s7], [sflag:s8] =	dma.local @!p0 [hbm:s6], $0xF7A  }
0x23: {  	s9 =	sor.u32 $0xD0000000, s2;
	s6 =	simm.s32 $0x108;
	_ =	swait.ge @!p0 [sflag:s8], $0x0  }
0x24: {  	s3 =	sadd.s32 $0x88, s3;
	s6 =	simm.s32 @!p1 $0x1082;
	[sflag:s4] =	ssyncset.s32 $0xFFFFF086  }
0x25: {  	[simem:s6], [sflag:s4] =	dma.local [hbm:s3], $0xF7A  }
0x26: {  	[smem:$0x3F99] =	sst s1;
	(tag) =	ssettag s2;
	_ =	strace s9  }
0x27: {  	s1 =	sld [smem:$0x3FA9]  }
0x28: {  	s2 =	sld [smem:$0x3FAA]  }
0x29: {  	s4 =	sld [smem:$0x3FAC]  }
0x2a: {  	p0 =	seq.s32 s5, $0x0;
	s5 =	sld [smem:$0x3FAD]  }
0x2b: {  	s6 =	sld [smem:$0x3FAE]  }
0x2c: {  	s7 =	sld [smem:$0x3FAF]  }
0x2d: {  	s3 =	simm.s32 $0x108;
	s8 =	sld [smem:$0x3FB0]  }
0x2e: {  	s3 =	simm.s32 @!p0 $0x1082;
	s9 =	sld [smem:$0x3FB1]  }
0x2f: {  	lr =	sadd.s32 s0, s3;
	s0 =	sld [smem:$0x3FA8]  }
0x30: {  	s3 =	sld [smem:$0x3FAB]  }
0x31: {  	[smem:$0x3FB4] =	sst s10  }
0x32: {  	s10 =	sld [smem:$0x3FB2];
	_ =	sdelay $0x3  }
0x33: {  	p0 =	seq.s32 s10, $0x1;
	s10 =	sld [smem:$0x3FB4];
	_ =	sdelay $0x3  }
0x34: {  	[smem:$0x3FB4] =	sst s10  }
0x35: {  	s10 =	sld [smem:$0x3FB3];
	_ =	sdelay $0x3  }
0x36: {  	p1 =	seq.s32 s10, $0x1;
	s10 =	sld [smem:$0x3FB4];
	_ =	sdelay $0x3  }
0x37: {  	[smem:$0x3FB4] =	sst s10  }
0x38: {  	s10 =	sld [smem:$0x3FB5]  }
0x39: {  	_ = 	snop;
	(pc) =	sbr.ind lr, $3  }
0x3a: {  	_ = 	snop  }
0x3b: {  	_ = 	snop  }
0x3c: {  	p2 =	seq.s32 s10, $0x1;
	s10 =	sld [smem:$0x3FB4]  }
0x3d: {  	_ =	shalt  }
0x3e: {  	_ =	shalt  }
0x3f: {  	_ =	shalt  }
0x40: {  	_ =	shalt  }
0x41: {  	_ =	shalt  }
0x42: {  	_ =	shalt  }
0x43: {  	_ =	shalt  }
0x44: {  	_ =	shalt  }
0x45: {  	_ =	shalt  }
0x46: {  	_ =	shalt  }
0x47: {  	_ =	shalt  }
0x48: {  	_ =	shalt  }
0x49: {  	_ =	shalt  }
0x4a: {  	_ =	shalt  }
0x4b: {  	_ =	shalt  }
0x4c: {  	_ =	shalt  }
0x4d: {  	_ =	shalt  }
0x4e: {  	_ =	shalt  }
0x4f: {  	_ =	shalt  }
0x50: {  	_ =	shalt  }
0x51: {  	_ =	shalt  }
0x52: {  	_ =	shalt  }
0x53: {  	_ =	shalt  }
0x54: {  	_ =	shalt  }
0x55: {  	_ =	shalt  }
0x56: {  	_ =	shalt  }
0x57: {  	_ =	shalt  }
0x58: {  	_ =	shalt  }
0x59: {  	_ =	shalt  }
0x5a: {  	_ =	shalt  }
0x5b: {  	_ =	shalt  }
0x5c: {  	_ =	shalt  }
0x5d: {  	_ =	shalt  }
0x5e: {  	_ =	shalt  }
0x5f: {  	_ =	shalt  }
0x60: {  	_ =	shalt  }
0x61: {  	_ =	shalt  }
0x62: {  	_ =	shalt  }
0x63: {  	_ =	shalt  }
0x64: {  	_ =	shalt  }
0x65: {  	_ =	shalt  }
0x66: {  	_ =	shalt  }
0x67: {  	_ =	shalt  }
0x68: {  	_ =	shalt  }
0x69: {  	_ =	shalt  }
0x6a: {  	_ =	shalt  }
0x6b: {  	_ =	shalt  }
0x6c: {  	_ =	shalt  }
0x6d: {  	_ =	shalt  }
0x6e: {  	_ =	shalt  }
0x6f: {  	_ =	shalt  }
0x70: {  	_ =	shalt  }
0x71: {  	_ =	shalt  }
0x72: {  	_ =	shalt  }
0x73: {  	_ =	shalt  }
0x74: {  	_ =	shalt  }
0x75: {  	_ =	shalt  }
0x76: {  	_ =	shalt  }
0x77: {  	_ =	shalt  }
0x78: {  	_ =	shalt  }
0x79: {  	_ =	shalt  }
0x7a: {  	_ =	shalt  }
0x7b: {  	_ =	shalt  }
0x7c: {  	_ =	shalt  }
0x7d: {  	_ =	shalt  }
0x7e: {  	_ =	shalt  }
0x7f: {  	_ =	shalt  }
0x80: {  	_ =	shalt  }
0x81: {  	_ =	shalt  }
0x82: {  	_ =	shalt  }
0x83: {  	_ =	shalt  }
0x84: {  	_ =	shalt  }
0x85: {  	_ =	shalt  }
0x86: {  	_ =	shalt  }
0x87: {  	_ =	shalt  }
.Lfunc_end0:
.L_simem_size_0:
called_computation.1_lowered:
.L_overlay_start_0:
0x88: {  	s2 =	sld [smem:$0x3FD9]  }
0x89: {  	s3 =	sld [smem:$0x3FFE];
	_ =	sdelay $0x1  }
0x8a: {  	s1 =	srdreg.scid  }
0x8b: {  	s0 =	sand.u32 $0x1, s1  }
0x8c: {  	s16 =	sshll.u32 s0, $0xA;
	s2 =	sadd.s32 s3, s2  }
0x8d: {  	s2 =	sadd.s32 s2, s16  }
0x8e: {  	[smem:$0x3FC0] =	sst s2  }
0x8f: {  	_ = 	snop  }
0x90: {  	(tm) =	ssettm $0x1  }
0x91: {  	s17 =	sld [smem:$0x3FFB];
	_ =	sdelay $0x3  }
0x92: {  	_ =	strace s17  }
0x93: {  	s2 =	sld [smem:$0x3FFC];
	_ =	sdelay $0x3  }
0x94: {  	_ =	strace s2  }
0x95: {  	s2 =	sld [smem:$0x3FFD];
	_ =	sdelay $0x3  }
0x96: {  	_ =	strace s2  }
0x97: {  	_ =	strace $0x8FFFFFFF  }
0x98: {  	s18 =	sld [smem:$0x3FDB];
	_ =	sdelay $0x1  }
0x99: {  	s19 =	simm.s32 $_scs_section_size  }
0x9a: {  	s4 =	simm.s32 $_size__tile_overlayer_lowered;
	s5 =	simm.s32 $_tile_overlayer_lowered  }
0x9b: {  	s22 =	simm.s32 $0x1BFF;
	s21 =	sshll.u32 s5, $0x1;
	s2 =	sadd.s32 s19, s18  }
0x9c: {  	s6 =	simm.s32 $0x0;
	s20 =	sshll.u32 s4, $0x1;
	s4 =	sadd.s32 s21, s2  }
0x9d: {  	[timem:s6], [sflag:s22] =	dma.local [hbm:s4], s20  }
0x9e: {  	_ =	swait.ge [sflag:s22], s20  }
0x9f: {  	s3 =	ssub.s32 $0x0, s20;
	[sflag:s22] =	ssyncset.done $0x0  }
0xa0: {  	[sflag:s22] =	ssyncadd.s32 s3;
	_ =	sdelay $0x1  }
0xa1: {  	s23 =	simm.s32 $0x1B8B  }
0xa2: {  	_ =	swait.ge [sflag:s23], $0x1  }
0xa3: {  	[sflag:s23] =	ssyncset.done $0x0  }
0xa4: {  	s25 =	simm.s32 $0x1B8E;
	s24 =	sld [smem:$0x3FFE];
	[sflag:s23] =	ssyncadd.s32 $0xFFFFFFFF  }
0xa5: {  	s26 =	simm.s32 $execute0_lowered;
	[smem:$0x3FD2] =	sst s25  }
0xa6: {  	s4 =	sshll.u32 s26, $0x1;
	_ =	strace $0x80000049;
	[dreg:$0x1] =	wrdreg $0xFFFFFFFF  }
0xa7: {  	s28 =	simm.s32 $_size_execute0_lowered;
	s2 =	sadd.s32 s2, s4;
	[dreg:$0x0] =	wrdreg $0x0  }
0xa8: {  	s4 =	sshll.u32 s28, $0x1;
	[dreg:$0x2] =	wrdreg s2  }
0xa9: {  	[dreg:$0x3] =	wrdreg s4  }
0xaa: {  	[dreg:$0x4] =	wrdreg $0xC0  }
0xab: {  	_ =	task [dreg:s6], $0x5FFFF  }
0xac: {  	[dreg:$0x1] =	wrdreg $0xFFFFFFFF  }
0xad: {  	[dreg:$0x0] =	wrdreg $0x60  }
0xae: {  	[dreg:$0x2] =	wrdreg s24  }
0xaf: {  	[dreg:$0x3] =	wrdreg $0x5C000  }
0xb0: {  	[dreg:$0x4] =	wrdreg $0x9  }
0xb1: {  	_ =	task.clear_ibuf [dreg:s6], $0x5FFFF;
	_ =	strace $0x90000049  }
0xb2: {  	s29 =	simm.s32 $0x9;
	_ =	strace $0x8000004B  }
0xb3: {  	_ =	swait.ge [sflag:s29], $0x1  }
0xb4: {  	[sflag:s29] =	ssyncadd.s32 $0xFFFFFFFF  }
0xb5: {  	_ =	strace $0x9000004B  }
0xb6: {  	_ =	sfence  }
0xb7: {  	s30 =	sld [smem:$0x0];
	_ =	sdelay $0x2  }
0xb8: {  	s31 =	sshll.u32 s1, $0xD;
	s1 =	sshrl.u32 s1, $0x2  }
0xb9: {  	s3 =	sand.u32 $0x4000, s31;
	s1 =	sadd.s32 s1, s30  }
0xba: {  	s0 =	sor.u32 s3, s0;
	s1 =	sshll.u32 s1, $0x11  }
0xbb: {  	s0 =	sor.u32 s1, s0  }
0xbc: {  	s0 =	sadd.s32 $0x8F2B, s0  }
0xbd: {  	[sflag:s0] =	ssyncadd.remote.s32 $0x1  }
0xbe: {  	_ =	sfence.sel $0xFFFF  }
0xbf: {  	[dreg:$0x0] =	wrdreg $0xFFFFFFFF;
	(pc) =	sbr.abs _section_cstart, $3  }
0xc0: {  	[dreg:$0x1] =	wrdreg $0xFFFFFFFF  }
0xc1: {  	_ =	task.clear_ibuf [dreg:s6], $0x2FFFF;
	_ =	strace $0x9FFFFFFF  }
0xc2: {  	(tm) =	ssettm $0x7FFFFFFF  }
0xc3: {  	_ =	shalt  }
tec
execute0_lowered:
.L_overlay_start_1:
0x0: {  	(tag) =	ssettag $0x1  }
0x1: {  	s7 =	rddreg [dreg:$0x0]  }
0x2: {  	s2 =	rddreg [dreg:$0x1]  }
0x3: {  	s0 =	rddreg [dreg:$0x2];
	s1 =	stileid.u32  }
0x4: {  	s4 =	srdreg.scid;
	s3 =	simm.s32 $0x0;
	s15 =	simm.s32 $0x80  }
0x5: {  	s16 =	simm.s32 $0x1C00;
	s17 =	simm.s32 $0x2C00;
	s18 =	simm.s32 $0x3C00  }
0x6: {  	s19 =	simm.s32 $0x4C00;
	s20 =	simm.s32 $0x1;
	s21 =	simm.s32 $0x2  }
0x7: {  	s22 =	simm.s32 $0x3;
	s23 =	simm.s32 $0x4;
	s8 =	smul.u32 $0x18800, s1  }
0x8: {  	s9 =	sand.u32 $0x1, s4;
	[smem:$0x7FF] =	sst s3;
	s4 =	sadd.s32 $0xE3000, s7  }
0x9: {  	s5 =	sadd.s32 $0x1C00, s7;
	s6 =	sadd.s32 $0x347800, s7;
	s13 =	sshll.u32 s1, $0x6  }
0xa: {  	s10 =	smul.u32 $0x188000, s9;
	_ =	strace $0x8000004A;
	s12 =	ssub.s32 $0x2, s9  }
0xb: {  	s9 =	sshll.u32 s9, $0x4;
	s11 =	sshrl.u32 s8, $0x3;
	s31 =	sshrl.u32 s12, $0x1  }
0xc: {  	s9 =	sor.u32 s1, s9;
	s14 =	sadd.s32 s8, s2;
	s10 =	sadd.s32 s8, s10  }
0xd: {  	s11 =	sadd.s32 s11, s7;
	s12 =	ssub.s32 s12, s31;
	s8 =	sor.u32 $0x1C05, s13  }
0xe: {  	s9 =	smul.u32 $0x6200, s9;
	s13 =	simm.s32 $0x5;
	s10 =	sshrl.u32 s10, $0x3  }
0xf: {  	s10 =	sadd.s32 s10, s7;
	s7 =	sadd.s32 $0x1A400, s11;
	s11 =	smax.u32 s12, $0x1  }
0x10: {  	s12 =	sshrl.u32 s14, $0x3;
	s14 =	simm.s32 $0xE00;
	s10 =	sadd.s32 $0x4B400, s10  }
.LBB2_1:
0x11: {  	[spmem:s12], [sflag:s8] =	dma.local [hbm:s7], $0x3100  }
0x12: {  	_ =	swait.ge [sflag:s13], $0x3100  }
0x13: {  	[sflag:s13] =	ssyncset.done $0x0  }
0x14: {  	[sflag:s13] =	ssyncadd.s32 $0xFFFFCF00  }
0x15: {  	s24 =	simm.s32 $0x0;
	[bflag:$0x0] =	sbarrier.arrive $0xFFFF  }
.LBB2_2:
0x16: {  	s25 =	smul.u32 $0xE00, s24;
	_ =	sdelay $0x1  }
0x17: {  	s25 =	sadd.s32 s9, s25  }
0x18: {  	s25 =	sshrl.u32 s25, $0x3  }
0x19: {  	s28 =	simm.s32 $0x0;
	s26 =	sadd.s32 s4, s25  }
0x1a: {  	[tilespmem:s28], [sflag:$0x5] =	stream.linear.gather [hbm4b:s26+s28], $0xE00, $0x38;
	[tilespmem:$0x1E400] =	vst v63  }
0x1b: {  	_ =	swait.ge [sflag:s13], $0xE00  }
0x1c: {  	[sflag:s13] =	ssyncset.done $0x0  }
0x1d: {  	s25 =	sadd.s32 s5, s25;
	[sflag:s13] =	ssyncadd.s32 $0xFFFFF200  }
0x1e: {  	[tilespmem:s14], [sflag:$0x5] =	stream.linear.gather [hbm4b:s25+s28], $0xE00, $0x38;
	[tilespmem:$0x1E400] =	vst v63  }
0x1f: {  	_ =	swait.ge [sflag:s13], $0xE00  }
0x20: {  	[sflag:s13] =	ssyncset.done $0x0  }
0x21: {  	s26 =	simm.s32 $0x0;
	[sflag:s13] =	ssyncadd.s32 $0xFFFFF200  }
0x22: {  	[tilespmem:s16], [sflag:$0x1] =	stream.indirect.gather [hbm4b:s6+s15], $0x20, s26, s15, $0xb8;
	[tilespmem:$0x1E400] =	vst v63  }
0x23: {  	s28 =	simm.s32 $0x80  }
0x24: {  	[tilespmem:s17], [sflag:$0x2] =	stream.indirect.gather [hbm4b:s6+s15], $0x20, s28, s15, $0xb8;
	[tilespmem:$0x1E400] =	vst v63  }
0x25: {  	s30 =	simm.s32 $0x100  }
0x26: {  	[tilespmem:s18], [sflag:$0x3] =	stream.indirect.gather [hbm4b:s6+s15], $0x20, s30, s15, $0xb8;
	[tilespmem:$0x1E400] =	vst v63  }
0x27: {  	s31 =	simm.s32 $0x180  }
0x28: {  	[tilespmem:s19], [sflag:$0x4] =	stream.indirect.gather [hbm4b:s6+s15], $0x20, s31, s15, $0xb8;
	[tilespmem:$0x1E400] =	vst v63  }
0x29: {  	_ =	swait.ge [sflag:s20], $0x1000  }
0x2a: {  	[sflag:s20] =	ssyncset.done $0x0  }
0x2b: {  	s26 =	simm.s32 $0xE00;
	[sflag:s20] =	ssyncadd.s32 $0xFFFFF000  }
0x2c: {  	[spmem:s2] =	stream.indirect.scatter.add.f32 [tilespmem:s16], [sflag:$0x5], $0x20, s26, s15, $0xb8;
	[tilespmem:$0x1E400] =	vst v63  }
0x2d: {  	_ =	swait.ge [sflag:s13], $0x1000  }
0x2e: {  	[sflag:s13] =	ssyncset.done $0x0  }
0x2f: {  	[sflag:s13] =	ssyncadd.s32 $0xFFFFF000  }
0x30: {  	_ =	swait.ge [sflag:s21], $0x1000  }
0x31: {  	[sflag:s21] =	ssyncset.done $0x0  }
0x32: {  	s28 =	simm.s32 $0xE80;
	[sflag:s21] =	ssyncadd.s32 $0xFFFFF000  }
0x33: {  	[spmem:s2] =	stream.indirect.scatter.add.f32 [tilespmem:s17], [sflag:$0x5], $0x20, s28, s15, $0xb8;
	[tilespmem:$0x1E400] =	vst v63  }
0x34: {  	_ =	swait.ge [sflag:s13], $0x1000  }
0x35: {  	[sflag:s13] =	ssyncset.done $0x0  }
0x36: {  	[sflag:s13] =	ssyncadd.s32 $0xFFFFF000  }
0x37: {  	_ =	swait.ge [sflag:s22], $0x1000  }
0x38: {  	[sflag:s22] =	ssyncset.done $0x0  }
0x39: {  	s30 =	simm.s32 $0xF00;
	[sflag:s22] =	ssyncadd.s32 $0xFFFFF000  }
0x3a: {  	[spmem:s2] =	stream.indirect.scatter.add.f32 [tilespmem:s18], [sflag:$0x5], $0x20, s30, s15, $0xb8;
	[tilespmem:$0x1E400] =	vst v63  }
0x3b: {  	_ =	swait.ge [sflag:s13], $0x1000  }
0x3c: {  	[sflag:s13] =	ssyncset.done $0x0  }
0x3d: {  	[sflag:s13] =	ssyncadd.s32 $0xFFFFF000  }
0x3e: {  	_ =	swait.ge [sflag:s23], $0x1000  }
0x3f: {  	[sflag:s23] =	ssyncset.done $0x0  }
0x40: {  	s31 =	simm.s32 $0xF80;
	[sflag:s23] =	ssyncadd.s32 $0xFFFFF000  }
0x41: {  	[spmem:s2] =	stream.indirect.scatter.add.f32 [tilespmem:s19], [sflag:$0x5], $0x20, s31, s15, $0xb8;
	[tilespmem:$0x1E400] =	vst v63  }
0x42: {  	_ =	swait.ge [sflag:s13], $0x1000  }
0x43: {  	s29 =	simm.s32 $0x1000;
	s25 =	simm.s32 $0x800;
	[sflag:s13] =	ssyncset.done $0x0  }
.LBB2_3:
0x44: {  	s28 =	sshra.s32 s25, $0x2  }
0x45: {  	[sflag:s13] =	ssyncadd.s32 $0xFFFFF000;
	s25 =	smov.u32 s29;
	s26 =	sadd.s32 $0x800, s29  }
0x46: {  	[tilespmem:s16], [sflag:$0x1] =	stream.indirect.gather [hbm4b:s6+s15], $0x20, s28, s15, $0xb8;
	[tilespmem:$0x1E400] =	vst v63  }
0x47: {  	p0 =	sne.s32 s29, $0x3000;
	s29 =	sadd.s32 $0x80, s28  }
0x48: {  	[tilespmem:s17], [sflag:$0x2] =	stream.indirect.gather [hbm4b:s6+s15], $0x20, s29, s15, $0xb8;
	[tilespmem:$0x1E400] =	vst v63  }
0x49: {  	s29 =	sadd.s32 $0x100, s28  }
0x4a: {  	[tilespmem:s18], [sflag:$0x3] =	stream.indirect.gather [hbm4b:s6+s15], $0x20, s29, s15, $0xb8;
	[tilespmem:$0x1E400] =	vst v63  }
0x4b: {  	s29 =	sadd.s32 $0x180, s28  }
0x4c: {  	[tilespmem:s19], [sflag:$0x4] =	stream.indirect.gather [hbm4b:s6+s15], $0x20, s29, s15, $0xb8;
	[tilespmem:$0x1E400] =	vst v63  }
0x4d: {  	_ =	swait.ge [sflag:s20], $0x1000  }
0x4e: {  	[sflag:s20] =	ssyncset.done $0x0  }
0x4f: {  	s29 =	sadd.s32 $0xE00, s28;
	[sflag:s20] =	ssyncadd.s32 $0xFFFFF000  }
0x50: {  	[spmem:s2] =	stream.indirect.scatter.add.f32 [tilespmem:s16], [sflag:$0x5], $0x20, s29, s15, $0xb8;
	[tilespmem:$0x1E400] =	vst v63  }
0x51: {  	_ =	swait.ge [sflag:s13], $0x1000  }
0x52: {  	[sflag:s13] =	ssyncset.done $0x0  }
0x53: {  	[sflag:s13] =	ssyncadd.s32 $0xFFFFF000  }
0x54: {  	_ =	swait.ge [sflag:s21], $0x1000  }
0x55: {  	[sflag:s21] =	ssyncset.done $0x0  }
0x56: {  	s29 =	sadd.s32 $0xE80, s28;
	[sflag:s21] =	ssyncadd.s32 $0xFFFFF000  }
0x57: {  	[spmem:s2] =	stream.indirect.scatter.add.f32 [tilespmem:s17], [sflag:$0x5], $0x20, s29, s15, $0xb8;
	[tilespmem:$0x1E400] =	vst v63  }
0x58: {  	_ =	swait.ge [sflag:s13], $0x1000  }
0x59: {  	[sflag:s13] =	ssyncset.done $0x0  }
0x5a: {  	[sflag:s13] =	ssyncadd.s32 $0xFFFFF000  }
0x5b: {  	_ =	swait.ge [sflag:s22], $0x1000  }
0x5c: {  	[sflag:s22] =	ssyncset.done $0x0  }
0x5d: {  	s29 =	sadd.s32 $0xF00, s28;
	[sflag:s22] =	ssyncadd.s32 $0xFFFFF000  }
0x5e: {  	[spmem:s2] =	stream.indirect.scatter.add.f32 [tilespmem:s18], [sflag:$0x5], $0x20, s29, s15, $0xb8;
	[tilespmem:$0x1E400] =	vst v63  }
0x5f: {  	_ =	swait.ge [sflag:s13], $0x1000  }
0x60: {  	[sflag:s13] =	ssyncset.done $0x0  }
0x61: {  	[sflag:s13] =	ssyncadd.s32 $0xFFFFF000  }
0x62: {  	_ =	swait.ge [sflag:s23], $0x1000  }
.Ltmp0:
0x63: {  	[sflag:s23] =	ssyncset.done $0x0;
	(pc) =	sbr.rel @p0 .LBB2_3-.Ltmp0, $4  }
0x64: {  	s28 =	sadd.s32 $0xF80, s28;
	[sflag:s23] =	ssyncadd.s32 $0xFFFFF000  }
0x65: {  	[spmem:s2] =	stream.indirect.scatter.add.f32 [tilespmem:s19], [sflag:$0x5], $0x20, s28, s15, $0xb8;
	[tilespmem:$0x1E400] =	vst v63  }
0x66: {  	_ =	swait.ge [sflag:s13], $0x1000  }
0x67: {  	s29 =	smov.u32 s26;
	[sflag:s13] =	ssyncset.done $0x0  }
0x68: {  	s25 =	sshra.s32 s25, $0x2;
	[sflag:s13] =	ssyncadd.s32 $0xFFFFF000  }
0x69: {  	[tilespmem:s16], [sflag:$0x1] =	stream.indirect.gather [hbm4b:s6+s15], $0x20, s25, s15, $0xb8;
	[tilespmem:$0x1E400] =	vst v63  }
0x6a: {  	s26 =	sadd.s32 $0x80, s25  }
0x6b: {  	[tilespmem:s17], [sflag:$0x2] =	stream.indirect.gather [hbm4b:s6+s15], $0x20, s26, s15, $0xb8;
	[tilespmem:$0x1E400] =	vst v63  }
0x6c: {  	s31 =	sadd.s32 $0x100, s25  }
0x6d: {  	[tilespmem:s18], [sflag:$0x3] =	stream.indirect.gather [hbm4b:s6+s15], $0x20, s31, s15, $0xb8;
	[tilespmem:$0x1E400] =	vst v63  }
0x6e: {  	s28 =	sadd.s32 $0x180, s25  }
0x6f: {  	[tilespmem:s19], [sflag:$0x4] =	stream.indirect.gather [hbm4b:s6+s15], $0x20, s28, s15, $0xb8;
	[tilespmem:$0x1E400] =	vst v63  }
0x70: {  	_ =	swait.ge [sflag:s20], $0x1000  }
0x71: {  	[sflag:s20] =	ssyncset.done $0x0  }
0x72: {  	s29 =	sadd.s32 $0xE00, s25;
	[sflag:s20] =	ssyncadd.s32 $0xFFFFF000  }
0x73: {  	[spmem:s2] =	stream.indirect.scatter.add.f32 [tilespmem:s16], [sflag:$0x5], $0x20, s29, s15, $0xb8;
	[tilespmem:$0x1E400] =	vst v63  }
0x74: {  	_ =	swait.ge [sflag:s13], $0x1000  }
0x75: {  	[sflag:s13] =	ssyncset.done $0x0  }
0x76: {  	[sflag:s13] =	ssyncadd.s32 $0xFFFFF000  }
0x77: {  	_ =	swait.ge [sflag:s21], $0x1000  }
0x78: {  	[sflag:s21] =	ssyncset.done $0x0  }
0x79: {  	s30 =	sadd.s32 $0xE80, s25;
	[sflag:s21] =	ssyncadd.s32 $0xFFFFF000  }
0x7a: {  	[spmem:s2] =	stream.indirect.scatter.add.f32 [tilespmem:s17], [sflag:$0x5], $0x20, s30, s15, $0xb8;
	[tilespmem:$0x1E400] =	vst v63  }
0x7b: {  	_ =	swait.ge [sflag:s13], $0x1000  }
0x7c: {  	[sflag:s13] =	ssyncset.done $0x0  }
0x7d: {  	[sflag:s13] =	ssyncadd.s32 $0xFFFFF000  }
0x7e: {  	_ =	swait.ge [sflag:s22], $0x1000  }
0x7f: {  	[sflag:s22] =	ssyncset.done $0x0  }
0x80: {  	s31 =	sadd.s32 $0xF00, s25;
	[sflag:s22] =	ssyncadd.s32 $0xFFFFF000  }
0x81: {  	[spmem:s2] =	stream.indirect.scatter.add.f32 [tilespmem:s18], [sflag:$0x5], $0x20, s31, s15, $0xb8;
	[tilespmem:$0x1E400] =	vst v63  }
0x82: {  	_ =	swait.ge [sflag:s13], $0x1000  }
0x83: {  	[sflag:s13] =	ssyncset.done $0x0  }
0x84: {  	[sflag:s13] =	ssyncadd.s32 $0xFFFFF000  }
0x85: {  	s24 =	sadd.s32 $0x1, s24;
	_ =	swait.ge [sflag:s23], $0x1000  }
0x86: {  	p0 =	sne.s32 s24, $0x7;
	[sflag:s23] =	ssyncset.done $0x0  }
.Ltmp1:
0x87: {  	s25 =	sadd.s32 $0xF80, s25;
	[sflag:s23] =	ssyncadd.s32 $0xFFFFF000;
	(pc) =	sbr.rel @p0 .LBB2_2-.Ltmp1, $4  }
0x88: {  	[spmem:s2] =	stream.indirect.scatter.add.f32 [tilespmem:s19], [sflag:$0x5], $0x20, s25, s15, $0xb8;
	[tilespmem:$0x1E400] =	vst v63  }
0x89: {  	_ =	swait.ge [sflag:s13], $0x1000  }
0x8a: {  	[sflag:s13] =	ssyncset.done $0x0  }
0x8b: {  	[sflag:s13] =	ssyncadd.s32 $0xFFFFF000  }
0x8c: {  	s3 =	sadd.s32 $0x1, s3  }
0x8d: {  	p0 =	sne.s32 s3, s11  }
.Ltmp2:
0x8e: {  	[bflag:$0x0] =	sbarrier.arrive $0xFFFF;
	(pc) =	sbr.rel @p0 .LBB2_1-.Ltmp2, $4  }
0x8f: {  	[hbm:s10], [sflag:s8] =	dma.local [spmem:s12], $0x3100  }
0x90: {  	_ =	swait.ge [sflag:s13], $0x3100  }
0x91: {  	[sflag:s13] =	ssyncset.done $0x0  }
0x92: {  	[sflag:s13] =	ssyncadd.s32 $0xFFFFCF00  }
0x93: {  	_ =	sfence.sel $0x180000  }
0x94: {  	[bflag:$0x0] =	sbarrier.arrive $0xFFFF  }
0x95: {  	p0 =	sne.s32 s1, $0x0;
	_ =	strace $0x9000004A  }
0x96: {  	s0 =	sadd.s32 @!p0 $0x100000, s0;
	[bflag:$0x2] =	sbarrier.arrive $0xFFFF  }
0x97: {  	[sflag:s0] =	ssyncadd.tile.s32 @!p0 $0x1;
	_ =	shalt  }
.Lfunc_end2:
_tile_overlayer_lowered:
.L_overlay_start_2:
0x98: {  	(tag) =	ssettag $0x2  }
0x99: {  	s0 =	rddreg [dreg:$0x0];
	s2 =	stileid.u32  }
0x9a: {  	s1 =	rddreg [dreg:$0x1];
	p0 =	sne.s32 s2, $0x0  }
0x9b: {  	s3 =	rddreg [dreg:$0x2];
	[bflag:$0x3] =	sbarrier.arrive $0xFFFF;
	s2 =	simm.s32 @!p0 $0x1C05  }
0x9c: {  	[timem:s3], [sflag:s2] =	dma.local @!p0 [hbm:s0], s1  }
0x9d: {  	s0 =	simm.s32 @!p0 $0x5  }
0x9e: {  	_ =	swait.ge @!p0 [sflag:s0], s1  }
0x9f: {  	s1 =	ssub.s32 @!p0 $0x0, s1;
	[sflag:s0] =	ssyncset.done @!p0 $0x0  }
0xa0: {  	[sflag:s0] =	ssyncadd.s32 @!p0 s1  }
0xa1: {  	[bflag:$0x3] =	sbarrier.arrive $0xFFFF  }
0xa2: {  	_ =	shalt  }

// kernel: kernel.15.cloned.1.call-start
scs
__scs_entry_jumppad:
0x0: {  	(pc) =	sbr.rel $0x88, $3  }
0x1: {  	(tag) =	ssettag $0x0;
	lr =	simm.s32 $0x1  }
0x2: {  	[smem:$0x3F99] =	sst lr;
	_ =	strace $0xD0000000  }
0x3: {  	_ = 	snop  }
0x4: {  	_ = 	snop  }
0x5: {  	_ = 	snop  }
0x6: {  	_ = 	snop  }
0x7: {  	_ = 	snop  }
__scs_overlays_trampoline_lowered:
0x8: {  	[smem:$0x3FA8] =	sst s0  }
0x9: {  	[smem:$0x3FA9] =	sst s1  }
0xa: {  	[smem:$0x3FAA] =	sst s2  }
0xb: {  	[smem:$0x3FAB] =	sst s3  }
0xc: {  	[smem:$0x3FAC] =	sst s4  }
0xd: {  	[smem:$0x3FAD] =	sst s5  }
0xe: {  	[smem:$0x3FAE] =	sst s6  }
0xf: {  	[smem:$0x3FAF] =	sst s7  }
0x10: {  	[smem:$0x3FB0] =	sst s8  }
0x11: {  	[smem:$0x3FB1] =	sst s9;
	s0 =	simm.s32 @!p0 $0x0  }
0x12: {  	s1 =	sld [smem:$0x3F97];
	s0 =	simm.s32 @p0 $0x1  }
0x13: {  	[smem:$0x3FB2] =	sst s0;
	s0 =	simm.s32 @!p1 $0x0  }
0x14: {  	s2 =	sld [smem:$0x3F96];
	s0 =	simm.s32 @p1 $0x1  }
0x15: {  	[smem:$0x3FB3] =	sst s0;
	s0 =	simm.s32 @!p2 $0x0  }
0x16: {  	s3 =	sld [smem:$0x3FDB];
	s0 =	simm.s32 @p2 $0x1  }
0x17: {  	s4 =	simm.s32 $0x1BF5;
	[smem:$0x3FB5] =	sst s0  }
0x18: {  	s0 =	sld [smem:$0x3F98];
	_ =	swait.ge [sflag:s4], $0x0  }
0x19: {  	s7 =	sld [smem:$0x3F99]  }
0x1a: {  	s8 =	sadd.s32 $0xFFFFE003, lr  }
0x1b: {  	s9 =	sadd.s32 $0xFFFFFEF7, lr;
	s5 =	simm.s32 $0xFFFFFFFF;
	p2 =	slt.u32 s8, $0xFFFFF086  }
0x1c: {  	p1 =	slt.u32 s9, $0xF7A;
	s5 =	simm.s32 @!p2 $0x0  }
0x1d: {  	s5 =	simm.s32 @p1 $0x1;
	p0 =	seq.s32 s7, s2  }
0x1e: {  	s7 =	smul.u32 @!p0 $0xF7A, s2;
	p2 =	seq.s32 @!p0 s5, $0x0  }
0x1f: {  	s9 =	smul.u32 $0xF7A, s1;
	s8 =	simm.s32 @!p0 $0x1BF5;
	p2 =	por !p2, p0  }
0x20: {  	[sflag:s8] =	ssyncset.s32 @!p0 $0xFFFFF086;
	s6 =	sadd.s32 @!p0 s3, s7;
	s7 =	simm.s32 @!p0 $0x108  }
0x21: {  	s3 =	sadd.s32 s3, s9;
	s6 =	sadd.s32 @!p0 $0x88, s6;
	s7 =	simm.s32 @p2 $0x1082  }
0x22: {  	[simem:s7], [sflag:s8] =	dma.local @!p0 [hbm:s6], $0xF7A  }
0x23: {  	s9 =	sor.u32 $0xD0000000, s2;
	s6 =	simm.s32 $0x108;
	_ =	swait.ge @!p0 [sflag:s8], $0x0  }
0x24: {  	s3 =	sadd.s32 $0x88, s3;
	s6 =	simm.s32 @!p1 $0x1082;
	[sflag:s4] =	ssyncset.s32 $0xFFFFF086  }
0x25: {  	[simem:s6], [sflag:s4] =	dma.local [hbm:s3], $0xF7A  }
0x26: {  	[smem:$0x3F99] =	sst s1;
	(tag) =	ssettag s2;
	_ =	strace s9  }
0x27: {  	s1 =	sld [smem:$0x3FA9]  }
0x28: {  	s2 =	sld [smem:$0x3FAA]  }
0x29: {  	s4 =	sld [smem:$0x3FAC]  }
0x2a: {  	p0 =	seq.s32 s5, $0x0;
	s5 =	sld [smem:$0x3FAD]  }
0x2b: {  	s6 =	sld [smem:$0x3FAE]  }
0x2c: {  	s7 =	sld [smem:$0x3FAF]  }
0x2d: {  	s3 =	simm.s32 $0x108;
	s8 =	sld [smem:$0x3FB0]  }
0x2e: {  	s3 =	simm.s32 @!p0 $0x1082;
	s9 =	sld [smem:$0x3FB1]  }
0x2f: {  	lr =	sadd.s32 s0, s3;
	s0 =	sld [smem:$0x3FA8]  }
0x30: {  	s3 =	sld [smem:$0x3FAB]  }
0x31: {  	[smem:$0x3FB4] =	sst s10  }
0x32: {  	s10 =	sld [smem:$0x3FB2];
	_ =	sdelay $0x3  }
0x33: {  	p0 =	seq.s32 s10, $0x1;
	s10 =	sld [smem:$0x3FB4];
	_ =	sdelay $0x3  }
0x34: {  	[smem:$0x3FB4] =	sst s10  }
0x35: {  	s10 =	sld [smem:$0x3FB3];
	_ =	sdelay $0x3  }
0x36: {  	p1 =	seq.s32 s10, $0x1;
	s10 =	sld [smem:$0x3FB4];
	_ =	sdelay $0x3  }
0x37: {  	[smem:$0x3FB4] =	sst s10  }
0x38: {  	s10 =	sld [smem:$0x3FB5]  }
0x39: {  	_ = 	snop;
	(pc) =	sbr.ind lr, $3  }
0x3a: {  	_ = 	snop  }
0x3b: {  	_ = 	snop  }
0x3c: {  	p2 =	seq.s32 s10, $0x1;
	s10 =	sld [smem:$0x3FB4]  }
0x3d: {  	_ =	shalt  }
0x3e: {  	_ =	shalt  }
0x3f: {  	_ =	shalt  }
0x40: {  	_ =	shalt  }
0x41: {  	_ =	shalt  }
0x42: {  	_ =	shalt  }
0x43: {  	_ =	shalt  }
0x44: {  	_ =	shalt  }
0x45: {  	_ =	shalt  }
0x46: {  	_ =	shalt  }
0x47: {  	_ =	shalt  }
0x48: {  	_ =	shalt  }
0x49: {  	_ =	shalt  }
0x4a: {  	_ =	shalt  }
0x4b: {  	_ =	shalt  }
0x4c: {  	_ =	shalt  }
0x4d: {  	_ =	shalt  }
0x4e: {  	_ =	shalt  }
0x4f: {  	_ =	shalt  }
0x50: {  	_ =	shalt  }
0x51: {  	_ =	shalt  }
0x52: {  	_ =	shalt  }
0x53: {  	_ =	shalt  }
0x54: {  	_ =	shalt  }
0x55: {  	_ =	shalt  }
0x56: {  	_ =	shalt  }
0x57: {  	_ =	shalt  }
0x58: {  	_ =	shalt  }
0x59: {  	_ =	shalt  }
0x5a: {  	_ =	shalt  }
0x5b: {  	_ =	shalt  }
0x5c: {  	_ =	shalt  }
0x5d: {  	_ =	shalt  }
0x5e: {  	_ =	shalt  }
0x5f: {  	_ =	shalt  }
0x60: {  	_ =	shalt  }
0x61: {  	_ =	shalt  }
0x62: {  	_ =	shalt  }
0x63: {  	_ =	shalt  }
0x64: {  	_ =	shalt  }
0x65: {  	_ =	shalt  }
0x66: {  	_ =	shalt  }
0x67: {  	_ =	shalt  }
0x68: {  	_ =	shalt  }
0x69: {  	_ =	shalt  }
0x6a: {  	_ =	shalt  }
0x6b: {  	_ =	shalt  }
0x6c: {  	_ =	shalt  }
0x6d: {  	_ =	shalt  }
0x6e: {  	_ =	shalt  }
0x6f: {  	_ =	shalt  }
0x70: {  	_ =	shalt  }
0x71: {  	_ =	shalt  }
0x72: {  	_ =	shalt  }
0x73: {  	_ =	shalt  }
0x74: {  	_ =	shalt  }
0x75: {  	_ =	shalt  }
0x76: {  	_ =	shalt  }
0x77: {  	_ =	shalt  }
0x78: {  	_ =	shalt  }
0x79: {  	_ =	shalt  }
0x7a: {  	_ =	shalt  }
0x7b: {  	_ =	shalt  }
0x7c: {  	_ =	shalt  }
0x7d: {  	_ =	shalt  }
0x7e: {  	_ =	shalt  }
0x7f: {  	_ =	shalt  }
0x80: {  	_ =	shalt  }
0x81: {  	_ =	shalt  }
0x82: {  	_ =	shalt  }
0x83: {  	_ =	shalt  }
0x84: {  	_ =	shalt  }
0x85: {  	_ =	shalt  }
0x86: {  	_ =	shalt  }
0x87: {  	_ =	shalt  }
.Lfunc_end0:
.L_simem_size_0:
called_computation.2_lowered:
.L_overlay_start_0:
0x88: {  	s2 =	sld [smem:$0x3FD9]  }
0x89: {  	s3 =	sld [smem:$0x3FFE];
	_ =	sdelay $0x1  }
0x8a: {  	s1 =	srdreg.scid  }
0x8b: {  	s0 =	sand.u32 $0x1, s1  }
0x8c: {  	s16 =	sshll.u32 s0, $0xA;
	s2 =	sadd.s32 s3, s2  }
0x8d: {  	s2 =	sadd.s32 s2, s16  }
0x8e: {  	[smem:$0x3FC0] =	sst s2  }
0x8f: {  	_ = 	snop  }
0x90: {  	(tm) =	ssettm $0x1  }
0x91: {  	s17 =	sld [smem:$0x3FFB];
	_ =	sdelay $0x3  }
0x92: {  	_ =	strace s17  }
0x93: {  	s2 =	sld [smem:$0x3FFC];
	_ =	sdelay $0x3  }
0x94: {  	_ =	strace s2  }
0x95: {  	s2 =	sld [smem:$0x3FFD];
	_ =	sdelay $0x3  }
0x96: {  	_ =	strace s2  }
0x97: {  	_ =	strace $0x8FFFFFFF  }
0x98: {  	s18 =	sld [smem:$0x3FDB];
	_ =	sdelay $0x1  }
0x99: {  	s19 =	simm.s32 $_scs_section_size  }
0x9a: {  	s4 =	simm.s32 $_size__tile_overlayer_lowered;
	s5 =	simm.s32 $_tile_overlayer_lowered  }
0x9b: {  	s22 =	simm.s32 $0x1BFF;
	s21 =	sshll.u32 s5, $0x1;
	s2 =	sadd.s32 s19, s18  }
0x9c: {  	s6 =	simm.s32 $0x0;
	s20 =	sshll.u32 s4, $0x1;
	s4 =	sadd.s32 s21, s2  }
0x9d: {  	[timem:s6], [sflag:s22] =	dma.local [hbm:s4], s20  }
0x9e: {  	_ =	swait.ge [sflag:s22], s20  }
0x9f: {  	s3 =	ssub.s32 $0x0, s20;
	[sflag:s22] =	ssyncset.done $0x0  }
0xa0: {  	[sflag:s22] =	ssyncadd.s32 s3;
	_ =	sdelay $0x1  }
0xa1: {  	s23 =	simm.s32 $0x1B8B  }
0xa2: {  	_ =	swait.ge [sflag:s23], $0x1  }
0xa3: {  	[sflag:s23] =	ssyncset.done $0x0  }
0xa4: {  	s25 =	simm.s32 $0x1B8E;
	s24 =	sld [smem:$0x3FFE];
	[sflag:s23] =	ssyncadd.s32 $0xFFFFFFFF  }
0xa5: {  	s26 =	simm.s32 $execute0_lowered;
	[smem:$0x3FD2] =	sst s25  }
0xa6: {  	s4 =	sshll.u32 s26, $0x1;
	_ =	strace $0x8000004C;
	[dreg:$0x1] =	wrdreg $0xFFFFFFFF  }
0xa7: {  	s28 =	simm.s32 $_size_execute0_lowered;
	s2 =	sadd.s32 s2, s4;
	[dreg:$0x0] =	wrdreg $0x0  }
0xa8: {  	s4 =	sshll.u32 s28, $0x1;
	[dreg:$0x2] =	wrdreg s2  }
0xa9: {  	[dreg:$0x3] =	wrdreg s4  }
0xaa: {  	[dreg:$0x4] =	wrdreg $0xC0  }
0xab: {  	_ =	task [dreg:s6], $0x5FFFF  }
0xac: {  	[dreg:$0x1] =	wrdreg $0xFFFFFFFF  }
0xad: {  	[dreg:$0x0] =	wrdreg $0x60  }
0xae: {  	[dreg:$0x2] =	wrdreg s24  }
0xaf: {  	[dreg:$0x3] =	wrdreg $0xD4000  }
0xb0: {  	[dreg:$0x4] =	wrdreg $0x9  }
0xb1: {  	_ =	task.clear_ibuf [dreg:s6], $0x5FFFF;
	_ =	strace $0x9000004C  }
0xb2: {  	s29 =	simm.s32 $0x9;
	_ =	strace $0x8000004E  }
0xb3: {  	_ =	swait.ge [sflag:s29], $0x1  }
0xb4: {  	[sflag:s29] =	ssyncadd.s32 $0xFFFFFFFF  }
0xb5: {  	_ =	strace $0x9000004E  }
0xb6: {  	_ =	sfence  }
0xb7: {  	s30 =	sld [smem:$0x0];
	_ =	sdelay $0x2  }
0xb8: {  	s31 =	sshll.u32 s1, $0xD;
	s1 =	sshrl.u32 s1, $0x2  }
0xb9: {  	s3 =	sand.u32 $0x4000, s31;
	s1 =	sadd.s32 s1, s30  }
0xba: {  	s0 =	sor.u32 s3, s0;
	s1 =	sshll.u32 s1, $0x11  }
0xbb: {  	s0 =	sor.u32 s1, s0  }
0xbc: {  	s0 =	sadd.s32 $0x8F2B, s0  }
0xbd: {  	[sflag:s0] =	ssyncadd.remote.s32 $0x1  }
0xbe: {  	_ =	sfence.sel $0xFFFF  }
0xbf: {  	[dreg:$0x0] =	wrdreg $0xFFFFFFFF;
	(pc) =	sbr.abs _section_cstart, $3  }
0xc0: {  	[dreg:$0x1] =	wrdreg $0xFFFFFFFF  }
0xc1: {  	_ =	task.clear_ibuf [dreg:s6], $0x2FFFF;
	_ =	strace $0x9FFFFFFF  }
0xc2: {  	(tm) =	ssettm $0x7FFFFFFF  }
0xc3: {  	_ =	shalt  }
tec
execute0_lowered:
.L_overlay_start_1:
0x0: {  	(tag) =	ssettag $0x1  }
0x1: {  	s6 =	rddreg [dreg:$0x0]  }
0x2: {  	s0 =	srdreg.scid;
	s2 =	rddreg [dreg:$0x1]  }
0x3: {  	s3 =	simm.s32 $0x0;
	s14 =	simm.s32 $0x80;
	s15 =	simm.s32 $0xC400  }
0x4: {  	s16 =	simm.s32 $0xC800;
	s17 =	simm.s32 $0xCC00;
	s18 =	simm.s32 $0xD000  }
0x5: {  	s19 =	simm.s32 $0x1;
	s20 =	simm.s32 $0x2;
	s21 =	simm.s32 $0x3  }
0x6: {  	s22 =	simm.s32 $0x4;
	s5 =	sand.u32 $0x1, s0;
	s0 =	stileid.u32  }
0x7: {  	s23 =	simm.s32 $0x0;
	[smem:$0x7FF] =	sst s3;
	s7 =	smul.u32 $0x6200, s0  }
0x8: {  	s1 =	sshll.u32 s5, $0x4;
	s8 =	smul.u32 $0x62000, s5;
	s5 =	ssub.s32 $0x2, s5  }
0x9: {  	s31 =	sshll.u32 s0, $0x6;
	s1 =	sor.u32 s0, s1;
	s11 =	sshrl.u32 s5, $0x1  }
0xa: {  	s4 =	smul.u32 $0xC40, s1;
	s1 =	rddreg [dreg:$0x2];
	_ =	strace $0x8000004D  }
0xb: {  	s8 =	sadd.s32 s7, s8;
	s10 =	sshrl.u32 s7, $0x3;
	s11 =	ssub.s32 s5, s11  }
0xc: {  	s13 =	sadd.s32 s7, s2;
	s8 =	sshrl.u32 s8, $0x3;
	s10 =	sadd.s32 s10, s6  }
0xd: {  	s9 =	sadd.s32 s4, s6;
	s4 =	sadd.s32 $0xFB800, s6;
	s12 =	sadd.s32 s8, s6  }
0xe: {  	s5 =	sadd.s32 $0x107C00, s10;
	s6 =	sor.u32 $0x1C05, s31;
	s10 =	smax.u32 s11, $0x1  }
0xf: {  	s11 =	sshrl.u32 s13, $0x3;
	s13 =	simm.s32 $0x6200;
	s7 =	sadd.s32 $0xE3000, s9  }
0x10: {  	s8 =	sadd.s32 $0x1C00, s9;
	s9 =	sadd.s32 $0x114000, s12;
	s12 =	simm.s32 $0x5  }
.LBB2_1:
0x11: {  	[spmem:s11], [sflag:s6] =	dma.local [hbm:s5], $0xC40  }
0x12: {  	_ =	swait.ge [sflag:s12], $0xC40  }
0x13: {  	[sflag:s12] =	ssyncset.done $0x0  }
0x14: {  	[sflag:s12] =	ssyncadd.s32 $0xFFFFF3C0  }
0x15: {  	[tilespmem:s3], [sflag:$0x5] =	stream.linear.gather [hbm4b:s7+s3], $0x6200, $0x38;
	[tilespmem:$0x13600] =	vst v63  }
0x16: {  	_ =	swait.ge [sflag:s12], $0x6200  }
0x17: {  	[sflag:s12] =	ssyncset.done $0x0  }
0x18: {  	[sflag:s12] =	ssyncadd.s32 $0xFFFF9E00  }
0x19: {  	[tilespmem:s13], [sflag:$0x5] =	stream.linear.gather [hbm4b:s8+s3], $0x6200, $0x38;
	[tilespmem:$0x13600] =	vst v63  }
0x1a: {  	_ =	swait.ge [sflag:s12], $0x6200  }
0x1b: {  	[sflag:s12] =	ssyncset.done $0x0  }
0x1c: {  	[sflag:s12] =	ssyncadd.s32 $0xFFFF9E00  }
0x1d: {  	s24 =	simm.s32 $0x0;
	[bflag:$0x0] =	sbarrier.arrive $0xFFFF  }
0x1e: {  	[tilespmem:s15], [sflag:$0x1] =	stream.indirect.gather [hbm4b:s4+s14], $0x8, s24, s14, $0xb8;
	[tilespmem:$0x13600] =	vst v63  }
0x1f: {  	s30 =	simm.s32 $0x80  }
0x20: {  	[tilespmem:s16], [sflag:$0x2] =	stream.indirect.gather [hbm4b:s4+s14], $0x8, s30, s14, $0xb8;
	[tilespmem:$0x13600] =	vst v63  }
0x21: {  	s31 =	simm.s32 $0x100  }
0x22: {  	[tilespmem:s17], [sflag:$0x3] =	stream.indirect.gather [hbm4b:s4+s14], $0x8, s31, s14, $0xb8;
	[tilespmem:$0x13600] =	vst v63  }
0x23: {  	s25 =	simm.s32 $0x180  }
0x24: {  	[tilespmem:s18], [sflag:$0x4] =	stream.indirect.gather [hbm4b:s4+s14], $0x8, s25, s14, $0xb8;
	[tilespmem:$0x13600] =	vst v63  }
0x25: {  	_ =	swait.ge [sflag:s19], $0x400  }
0x26: {  	[sflag:s19] =	ssyncset.done $0x0  }
0x27: {  	s26 =	simm.s32 $0x6200;
	[sflag:s19] =	ssyncadd.s32 $0xFFFFFC00  }
0x28: {  	[spmem:s2] =	stream.indirect.scatter.add.f32 [tilespmem:s15], [sflag:$0x5], $0x8, s26, s14, $0xb8;
	[tilespmem:$0x13600] =	vst v63  }
0x29: {  	_ =	swait.ge [sflag:s12], $0x400  }
0x2a: {  	[sflag:s12] =	ssyncset.done $0x0  }
0x2b: {  	[sflag:s12] =	ssyncadd.s32 $0xFFFFFC00  }
0x2c: {  	_ =	swait.ge [sflag:s20], $0x400  }
0x2d: {  	[sflag:s20] =	ssyncset.done $0x0  }
0x2e: {  	s29 =	simm.s32 $0x6280;
	[sflag:s20] =	ssyncadd.s32 $0xFFFFFC00  }
0x2f: {  	[spmem:s2] =	stream.indirect.scatter.add.f32 [tilespmem:s16], [sflag:$0x5], $0x8, s29, s14, $0xb8;
	[tilespmem:$0x13600] =	vst v63  }
0x30: {  	_ =	swait.ge [sflag:s12], $0x400  }
0x31: {  	[sflag:s12] =	ssyncset.done $0x0  }
0x32: {  	[sflag:s12] =	ssyncadd.s32 $0xFFFFFC00  }
0x33: {  	_ =	swait.ge [sflag:s21], $0x400  }
0x34: {  	[sflag:s21] =	ssyncset.done $0x0  }
0x35: {  	s30 =	simm.s32 $0x6300;
	[sflag:s21] =	ssyncadd.s32 $0xFFFFFC00  }
0x36: {  	[spmem:s2] =	stream.indirect.scatter.add.f32 [tilespmem:s17], [sflag:$0x5], $0x8, s30, s14, $0xb8;
	[tilespmem:$0x13600] =	vst v63  }
0x37: {  	_ =	swait.ge [sflag:s12], $0x400  }
0x38: {  	[sflag:s12] =	ssyncset.done $0x0  }
0x39: {  	[sflag:s12] =	ssyncadd.s32 $0xFFFFFC00  }
0x3a: {  	_ =	swait.ge [sflag:s22], $0x400  }
0x3b: {  	[sflag:s22] =	ssyncset.done $0x0  }
0x3c: {  	s31 =	simm.s32 $0x6380;
	[sflag:s22] =	ssyncadd.s32 $0xFFFFFC00  }
0x3d: {  	[spmem:s2] =	stream.indirect.scatter.add.f32 [tilespmem:s18], [sflag:$0x5], $0x8, s31, s14, $0xb8;
	[tilespmem:$0x13600] =	vst v63  }
0x3e: {  	_ =	swait.ge [sflag:s12], $0x400  }
0x3f: {  	s28 =	simm.s32 $0x1000;
	s24 =	simm.s32 $0x800;
	[sflag:s12] =	ssyncset.done $0x0  }
.LBB2_2:
0x40: {  	s26 =	sshra.s32 s24, $0x2  }
0x41: {  	[sflag:s12] =	ssyncadd.s32 $0xFFFFFC00;
	s24 =	smov.u32 s28;
	s25 =	sadd.s32 $0x800, s28  }
0x42: {  	[tilespmem:s15], [sflag:$0x1] =	stream.indirect.gather [hbm4b:s4+s14], $0x8, s26, s14, $0xb8;
	[tilespmem:$0x13600] =	vst v63  }
0x43: {  	p0 =	sne.s32 s28, $0x18000;
	s28 =	sadd.s32 $0x80, s26  }
0x44: {  	[tilespmem:s16], [sflag:$0x2] =	stream.indirect.gather [hbm4b:s4+s14], $0x8, s28, s14, $0xb8;
	[tilespmem:$0x13600] =	vst v63  }
0x45: {  	s28 =	sadd.s32 $0x100, s26  }
0x46: {  	[tilespmem:s17], [sflag:$0x3] =	stream.indirect.gather [hbm4b:s4+s14], $0x8, s28, s14, $0xb8;
	[tilespmem:$0x13600] =	vst v63  }
0x47: {  	s28 =	sadd.s32 $0x180, s26  }
0x48: {  	[tilespmem:s18], [sflag:$0x4] =	stream.indirect.gather [hbm4b:s4+s14], $0x8, s28, s14, $0xb8;
	[tilespmem:$0x13600] =	vst v63  }
0x49: {  	_ =	swait.ge [sflag:s19], $0x400  }
0x4a: {  	[sflag:s19] =	ssyncset.done $0x0  }
0x4b: {  	s28 =	sadd.s32 $0x6200, s26;
	[sflag:s19] =	ssyncadd.s32 $0xFFFFFC00  }
0x4c: {  	[spmem:s2] =	stream.indirect.scatter.add.f32 [tilespmem:s15], [sflag:$0x5], $0x8, s28, s14, $0xb8;
	[tilespmem:$0x13600] =	vst v63  }
0x4d: {  	_ =	swait.ge [sflag:s12], $0x400  }
0x4e: {  	[sflag:s12] =	ssyncset.done $0x0  }
0x4f: {  	[sflag:s12] =	ssyncadd.s32 $0xFFFFFC00  }
0x50: {  	_ =	swait.ge [sflag:s20], $0x400  }
0x51: {  	[sflag:s20] =	ssyncset.done $0x0  }
0x52: {  	s28 =	sadd.s32 $0x6280, s26;
	[sflag:s20] =	ssyncadd.s32 $0xFFFFFC00  }
0x53: {  	[spmem:s2] =	stream.indirect.scatter.add.f32 [tilespmem:s16], [sflag:$0x5], $0x8, s28, s14, $0xb8;
	[tilespmem:$0x13600] =	vst v63  }
0x54: {  	_ =	swait.ge [sflag:s12], $0x400  }
0x55: {  	[sflag:s12] =	ssyncset.done $0x0  }
0x56: {  	[sflag:s12] =	ssyncadd.s32 $0xFFFFFC00  }
0x57: {  	_ =	swait.ge [sflag:s21], $0x400  }
0x58: {  	[sflag:s21] =	ssyncset.done $0x0  }
0x59: {  	s28 =	sadd.s32 $0x6300, s26;
	[sflag:s21] =	ssyncadd.s32 $0xFFFFFC00  }
0x5a: {  	[spmem:s2] =	stream.indirect.scatter.add.f32 [tilespmem:s17], [sflag:$0x5], $0x8, s28, s14, $0xb8;
	[tilespmem:$0x13600] =	vst v63  }
0x5b: {  	_ =	swait.ge [sflag:s12], $0x400  }
0x5c: {  	[sflag:s12] =	ssyncset.done $0x0  }
0x5d: {  	[sflag:s12] =	ssyncadd.s32 $0xFFFFFC00  }
0x5e: {  	_ =	swait.ge [sflag:s22], $0x400  }
.Ltmp0:
0x5f: {  	[sflag:s22] =	ssyncset.done $0x0;
	(pc) =	sbr.rel @p0 .LBB2_2-.Ltmp0, $4  }
0x60: {  	s26 =	sadd.s32 $0x6380, s26;
	[sflag:s22] =	ssyncadd.s32 $0xFFFFFC00  }
0x61: {  	[spmem:s2] =	stream.indirect.scatter.add.f32 [tilespmem:s18], [sflag:$0x5], $0x8, s26, s14, $0xb8;
	[tilespmem:$0x13600] =	vst v63  }
0x62: {  	_ =	swait.ge [sflag:s12], $0x400  }
0x63: {  	s28 =	smov.u32 s25;
	[sflag:s12] =	ssyncset.done $0x0  }
0x64: {  	s24 =	sshra.s32 s24, $0x2;
	[sflag:s12] =	ssyncadd.s32 $0xFFFFFC00  }
0x65: {  	[tilespmem:s15], [sflag:$0x1] =	stream.indirect.gather [hbm4b:s4+s14], $0x8, s24, s14, $0xb8;
	[tilespmem:$0x13600] =	vst v63  }
0x66: {  	s25 =	sadd.s32 $0x80, s24  }
0x67: {  	[tilespmem:s16], [sflag:$0x2] =	stream.indirect.gather [hbm4b:s4+s14], $0x8, s25, s14, $0xb8;
	[tilespmem:$0x13600] =	vst v63  }
0x68: {  	s26 =	sadd.s32 $0x100, s24  }
0x69: {  	[tilespmem:s17], [sflag:$0x3] =	stream.indirect.gather [hbm4b:s4+s14], $0x8, s26, s14, $0xb8;
	[tilespmem:$0x13600] =	vst v63  }
0x6a: {  	s28 =	sadd.s32 $0x180, s24  }
0x6b: {  	[tilespmem:s18], [sflag:$0x4] =	stream.indirect.gather [hbm4b:s4+s14], $0x8, s28, s14, $0xb8;
	[tilespmem:$0x13600] =	vst v63  }
0x6c: {  	_ =	swait.ge [sflag:s19], $0x400  }
0x6d: {  	[sflag:s19] =	ssyncset.done $0x0  }
0x6e: {  	s29 =	sadd.s32 $0x6200, s24;
	[sflag:s19] =	ssyncadd.s32 $0xFFFFFC00  }
0x6f: {  	[spmem:s2] =	stream.indirect.scatter.add.f32 [tilespmem:s15], [sflag:$0x5], $0x8, s29, s14, $0xb8;
	[tilespmem:$0x13600] =	vst v63  }
0x70: {  	_ =	swait.ge [sflag:s12], $0x400  }
0x71: {  	[sflag:s12] =	ssyncset.done $0x0  }
0x72: {  	[sflag:s12] =	ssyncadd.s32 $0xFFFFFC00  }
0x73: {  	_ =	swait.ge [sflag:s20], $0x400  }
0x74: {  	[sflag:s20] =	ssyncset.done $0x0  }
0x75: {  	s30 =	sadd.s32 $0x6280, s24;
	[sflag:s20] =	ssyncadd.s32 $0xFFFFFC00  }
0x76: {  	[spmem:s2] =	stream.indirect.scatter.add.f32 [tilespmem:s16], [sflag:$0x5], $0x8, s30, s14, $0xb8;
	[tilespmem:$0x13600] =	vst v63  }
0x77: {  	_ =	swait.ge [sflag:s12], $0x400  }
0x78: {  	[sflag:s12] =	ssyncset.done $0x0  }
0x79: {  	[sflag:s12] =	ssyncadd.s32 $0xFFFFFC00  }
0x7a: {  	_ =	swait.ge [sflag:s21], $0x400  }
0x7b: {  	[sflag:s21] =	ssyncset.done $0x0  }
0x7c: {  	s31 =	sadd.s32 $0x6300, s24;
	[sflag:s21] =	ssyncadd.s32 $0xFFFFFC00  }
0x7d: {  	[spmem:s2] =	stream.indirect.scatter.add.f32 [tilespmem:s17], [sflag:$0x5], $0x8, s31, s14, $0xb8;
	[tilespmem:$0x13600] =	vst v63  }
0x7e: {  	_ =	swait.ge [sflag:s12], $0x400  }
0x7f: {  	[sflag:s12] =	ssyncset.done $0x0  }
0x80: {  	[sflag:s12] =	ssyncadd.s32 $0xFFFFFC00  }
0x81: {  	_ =	swait.ge [sflag:s22], $0x400  }
0x82: {  	[sflag:s22] =	ssyncset.done $0x0  }
0x83: {  	s24 =	sadd.s32 $0x6380, s24;
	[sflag:s22] =	ssyncadd.s32 $0xFFFFFC00  }
0x84: {  	[spmem:s2] =	stream.indirect.scatter.add.f32 [tilespmem:s18], [sflag:$0x5], $0x8, s24, s14, $0xb8;
	[tilespmem:$0x13600] =	vst v63  }
0x85: {  	_ =	swait.ge [sflag:s12], $0x400  }
0x86: {  	s23 =	sadd.s32 $0x1, s23;
	[sflag:s12] =	ssyncset.done $0x0  }
0x87: {  	p0 =	sne.s32 s23, s10;
	[sflag:s12] =	ssyncadd.s32 $0xFFFFFC00  }
.Ltmp1:
0x88: {  	[bflag:$0x0] =	sbarrier.arrive $0xFFFF;
	(pc) =	sbr.rel @p0 .LBB2_1-.Ltmp1, $4  }
0x89: {  	[hbm:s9], [sflag:s6] =	dma.local [spmem:s11], $0xC40  }
0x8a: {  	_ =	swait.ge [sflag:s12], $0xC40  }
0x8b: {  	[sflag:s12] =	ssyncset.done $0x0  }
0x8c: {  	[sflag:s12] =	ssyncadd.s32 $0xFFFFF3C0  }
0x8d: {  	_ =	sfence.sel $0x180000  }
0x8e: {  	[bflag:$0x0] =	sbarrier.arrive $0xFFFF  }
0x8f: {  	p0 =	sne.s32 s0, $0x0;
	_ =	strace $0x9000004D  }
0x90: {  	s0 =	sadd.s32 @!p0 $0x100000, s1;
	[bflag:$0x2] =	sbarrier.arrive $0xFFFF  }
0x91: {  	[sflag:s0] =	ssyncadd.tile.s32 @!p0 $0x1;
	_ =	shalt  }
.Lfunc_end2:
_tile_overlayer_lowered:
.L_overlay_start_2:
0x92: {  	(tag) =	ssettag $0x2  }
0x93: {  	s0 =	rddreg [dreg:$0x0];
	s2 =	stileid.u32  }
0x94: {  	s1 =	rddreg [dreg:$0x1];
	p0 =	sne.s32 s2, $0x0  }
0x95: {  	s3 =	rddreg [dreg:$0x2];
	[bflag:$0x3] =	sbarrier.arrive $0xFFFF;
	s2 =	simm.s32 @!p0 $0x1C05  }
0x96: {  	[timem:s3], [sflag:s2] =	dma.local @!p0 [hbm:s0], s1  }
0x97: {  	s0 =	simm.s32 @!p0 $0x5  }
0x98: {  	_ =	swait.ge @!p0 [sflag:s0], s1  }
0x99: {  	s1 =	ssub.s32 @!p0 $0x0, s1;
	[sflag:s0] =	ssyncset.done @!p0 $0x0  }
0x9a: {  	[sflag:s0] =	ssyncadd.s32 @!p0 s1  }
0x9b: {  	[bflag:$0x3] =	sbarrier.arrive $0xFFFF  }
0x9c: {  	_ =	shalt  }

// kernel: kernel.9.cloned.1.call-start
scs
__scs_entry_jumppad:
0x0: {  	(pc) =	sbr.rel $0x88, $3  }
0x1: {  	(tag) =	ssettag $0x0;
	lr =	simm.s32 $0x1  }
0x2: {  	[smem:$0x3F99] =	sst lr;
	_ =	strace $0xD0000000  }
0x3: {  	_ = 	snop  }
0x4: {  	_ = 	snop  }
0x5: {  	_ = 	snop  }
0x6: {  	_ = 	snop  }
0x7: {  	_ = 	snop  }
__scs_overlays_trampoline_lowered:
0x8: {  	[smem:$0x3FA8] =	sst s0  }
0x9: {  	[smem:$0x3FA9] =	sst s1  }
0xa: {  	[smem:$0x3FAA] =	sst s2  }
0xb: {  	[smem:$0x3FAB] =	sst s3  }
0xc: {  	[smem:$0x3FAC] =	sst s4  }
0xd: {  	[smem:$0x3FAD] =	sst s5  }
0xe: {  	[smem:$0x3FAE] =	sst s6  }
0xf: {  	[smem:$0x3FAF] =	sst s7  }
0x10: {  	[smem:$0x3FB0] =	sst s8  }
0x11: {  	[smem:$0x3FB1] =	sst s9;
	s0 =	simm.s32 @!p0 $0x0  }
0x12: {  	s1 =	sld [smem:$0x3F97];
	s0 =	simm.s32 @p0 $0x1  }
0x13: {  	[smem:$0x3FB2] =	sst s0;
	s0 =	simm.s32 @!p1 $0x0  }
0x14: {  	s2 =	sld [smem:$0x3F96];
	s0 =	simm.s32 @p1 $0x1  }
0x15: {  	[smem:$0x3FB3] =	sst s0;
	s0 =	simm.s32 @!p2 $0x0  }
0x16: {  	s3 =	sld [smem:$0x3FDB];
	s0 =	simm.s32 @p2 $0x1  }
0x17: {  	s4 =	simm.s32 $0x1BF5;
	[smem:$0x3FB5] =	sst s0  }
0x18: {  	s0 =	sld [smem:$0x3F98];
	_ =	swait.ge [sflag:s4], $0x0  }
0x19: {  	s7 =	sld [smem:$0x3F99]  }
0x1a: {  	s8 =	sadd.s32 $0xFFFFE003, lr  }
0x1b: {  	s9 =	sadd.s32 $0xFFFFFEF7, lr;
	s5 =	simm.s32 $0xFFFFFFFF;
	p2 =	slt.u32 s8, $0xFFFFF086  }
0x1c: {  	p1 =	slt.u32 s9, $0xF7A;
	s5 =	simm.s32 @!p2 $0x0  }
0x1d: {  	s5 =	simm.s32 @p1 $0x1;
	p0 =	seq.s32 s7, s2  }
0x1e: {  	s7 =	smul.u32 @!p0 $0xF7A, s2;
	p2 =	seq.s32 @!p0 s5, $0x0  }
0x1f: {  	s9 =	smul.u32 $0xF7A, s1;
	s8 =	simm.s32 @!p0 $0x1BF5;
	p2 =	por !p2, p0  }
0x20: {  	[sflag:s8] =	ssyncset.s32 @!p0 $0xFFFFF086;
	s6 =	sadd.s32 @!p0 s3, s7;
	s7 =	simm.s32 @!p0 $0x108  }
0x21: {  	s3 =	sadd.s32 s3, s9;
	s6 =	sadd.s32 @!p0 $0x88, s6;
	s7 =	simm.s32 @p2 $0x1082  }
0x22: {  	[simem:s7], [sflag:s8] =	dma.local @!p0 [hbm:s6], $0xF7A  }
0x23: {  	s9 =	sor.u32 $0xD0000000, s2;
	s6 =	simm.s32 $0x108;
	_ =	swait.ge @!p0 [sflag:s8], $0x0  }
0x24: {  	s3 =	sadd.s32 $0x88, s3;
	s6 =	simm.s32 @!p1 $0x1082;
	[sflag:s4] =	ssyncset.s32 $0xFFFFF086  }
0x25: {  	[simem:s6], [sflag:s4] =	dma.local [hbm:s3], $0xF7A  }
0x26: {  	[smem:$0x3F99] =	sst s1;
	(tag) =	ssettag s2;
	_ =	strace s9  }
0x27: {  	s1 =	sld [smem:$0x3FA9]  }
0x28: {  	s2 =	sld [smem:$0x3FAA]  }
0x29: {  	s4 =	sld [smem:$0x3FAC]  }
0x2a: {  	p0 =	seq.s32 s5, $0x0;
	s5 =	sld [smem:$0x3FAD]  }
0x2b: {  	s6 =	sld [smem:$0x3FAE]  }
0x2c: {  	s7 =	sld [smem:$0x3FAF]  }
0x2d: {  	s3 =	simm.s32 $0x108;
	s8 =	sld [smem:$0x3FB0]  }
0x2e: {  	s3 =	simm.s32 @!p0 $0x1082;
	s9 =	sld [smem:$0x3FB1]  }
0x2f: {  	lr =	sadd.s32 s0, s3;
	s0 =	sld [smem:$0x3FA8]  }
0x30: {  	s3 =	sld [smem:$0x3FAB]  }
0x31: {  	[smem:$0x3FB4] =	sst s10  }
0x32: {  	s10 =	sld [smem:$0x3FB2];
	_ =	sdelay $0x3  }
0x33: {  	p0 =	seq.s32 s10, $0x1;
	s10 =	sld [smem:$0x3FB4];
	_ =	sdelay $0x3  }
0x34: {  	[smem:$0x3FB4] =	sst s10  }
0x35: {  	s10 =	sld [smem:$0x3FB3];
	_ =	sdelay $0x3  }
0x36: {  	p1 =	seq.s32 s10, $0x1;
	s10 =	sld [smem:$0x3FB4];
	_ =	sdelay $0x3  }
0x37: {  	[smem:$0x3FB4] =	sst s10  }
0x38: {  	s10 =	sld [smem:$0x3FB5]  }
0x39: {  	_ = 	snop;
	(pc) =	sbr.ind lr, $3  }
0x3a: {  	_ = 	snop  }
0x3b: {  	_ = 	snop  }
0x3c: {  	p2 =	seq.s32 s10, $0x1;
	s10 =	sld [smem:$0x3FB4]  }
0x3d: {  	_ =	shalt  }
0x3e: {  	_ =	shalt  }
0x3f: {  	_ =	shalt  }
0x40: {  	_ =	shalt  }
0x41: {  	_ =	shalt  }
0x42: {  	_ =	shalt  }
0x43: {  	_ =	shalt  }
0x44: {  	_ =	shalt  }
0x45: {  	_ =	shalt  }
0x46: {  	_ =	shalt  }
0x47: {  	_ =	shalt  }
0x48: {  	_ =	shalt  }
0x49: {  	_ =	shalt  }
0x4a: {  	_ =	shalt  }
0x4b: {  	_ =	shalt  }
0x4c: {  	_ =	shalt  }
0x4d: {  	_ =	shalt  }
0x4e: {  	_ =	shalt  }
0x4f: {  	_ =	shalt  }
0x50: {  	_ =	shalt  }
0x51: {  	_ =	shalt  }
0x52: {  	_ =	shalt  }
0x53: {  	_ =	shalt  }
0x54: {  	_ =	shalt  }
0x55: {  	_ =	shalt  }
0x56: {  	_ =	shalt  }
0x57: {  	_ =	shalt  }
0x58: {  	_ =	shalt  }
0x59: {  	_ =	shalt  }
0x5a: {  	_ =	shalt  }
0x5b: {  	_ =	shalt  }
0x5c: {  	_ =	shalt  }
0x5d: {  	_ =	shalt  }
0x5e: {  	_ =	shalt  }
0x5f: {  	_ =	shalt  }
0x60: {  	_ =	shalt  }
0x61: {  	_ =	shalt  }
0x62: {  	_ =	shalt  }
0x63: {  	_ =	shalt  }
0x64: {  	_ =	shalt  }
0x65: {  	_ =	shalt  }
0x66: {  	_ =	shalt  }
0x67: {  	_ =	shalt  }
0x68: {  	_ =	shalt  }
0x69: {  	_ =	shalt  }
0x6a: {  	_ =	shalt  }
0x6b: {  	_ =	shalt  }
0x6c: {  	_ =	shalt  }
0x6d: {  	_ =	shalt  }
0x6e: {  	_ =	shalt  }
0x6f: {  	_ =	shalt  }
0x70: {  	_ =	shalt  }
0x71: {  	_ =	shalt  }
0x72: {  	_ =	shalt  }
0x73: {  	_ =	shalt  }
0x74: {  	_ =	shalt  }
0x75: {  	_ =	shalt  }
0x76: {  	_ =	shalt  }
0x77: {  	_ =	shalt  }
0x78: {  	_ =	shalt  }
0x79: {  	_ =	shalt  }
0x7a: {  	_ =	shalt  }
0x7b: {  	_ =	shalt  }
0x7c: {  	_ =	shalt  }
0x7d: {  	_ =	shalt  }
0x7e: {  	_ =	shalt  }
0x7f: {  	_ =	shalt  }
0x80: {  	_ =	shalt  }
0x81: {  	_ =	shalt  }
0x82: {  	_ =	shalt  }
0x83: {  	_ =	shalt  }
0x84: {  	_ =	shalt  }
0x85: {  	_ =	shalt  }
0x86: {  	_ =	shalt  }
0x87: {  	_ =	shalt  }
.Lfunc_end0:
.L_simem_size_0:
called_computation_lowered:
.L_overlay_start_0:
0x88: {  	s2 =	sld [smem:$0x3FD9]  }
0x89: {  	s3 =	sld [smem:$0x3FFE];
	_ =	sdelay $0x1  }
0x8a: {  	s1 =	srdreg.scid  }
0x8b: {  	s0 =	sand.u32 $0x1, s1  }
0x8c: {  	s16 =	sshll.u32 s0, $0xA;
	s2 =	sadd.s32 s3, s2  }
0x8d: {  	s2 =	sadd.s32 s2, s16  }
0x8e: {  	[smem:$0x3FC0] =	sst s2  }
0x8f: {  	_ = 	snop  }
0x90: {  	(tm) =	ssettm $0x1  }
0x91: {  	s17 =	sld [smem:$0x3FFB];
	_ =	sdelay $0x3  }
0x92: {  	_ =	strace s17  }
0x93: {  	s2 =	sld [smem:$0x3FFC];
	_ =	sdelay $0x3  }
0x94: {  	_ =	strace s2  }
0x95: {  	s2 =	sld [smem:$0x3FFD];
	_ =	sdelay $0x3  }
0x96: {  	_ =	strace s2  }
0x97: {  	_ =	strace $0x8FFFFFFF  }
0x98: {  	s18 =	sld [smem:$0x3FDB];
	_ =	sdelay $0x1  }
0x99: {  	s19 =	simm.s32 $_scs_section_size  }
0x9a: {  	s4 =	simm.s32 $_size__tile_overlayer_lowered;
	s5 =	simm.s32 $_tile_overlayer_lowered  }
0x9b: {  	s22 =	simm.s32 $0x1BFF;
	s21 =	sshll.u32 s5, $0x1;
	s2 =	sadd.s32 s19, s18  }
0x9c: {  	s6 =	simm.s32 $0x0;
	s20 =	sshll.u32 s4, $0x1;
	s4 =	sadd.s32 s21, s2  }
0x9d: {  	[timem:s6], [sflag:s22] =	dma.local [hbm:s4], s20  }
0x9e: {  	_ =	swait.ge [sflag:s22], s20  }
0x9f: {  	s3 =	ssub.s32 $0x0, s20;
	[sflag:s22] =	ssyncset.done $0x0  }
0xa0: {  	[sflag:s22] =	ssyncadd.s32 s3;
	_ =	sdelay $0x1  }
0xa1: {  	s23 =	simm.s32 $0x1B8B  }
0xa2: {  	_ =	swait.ge [sflag:s23], $0x1  }
0xa3: {  	[sflag:s23] =	ssyncset.done $0x0  }
0xa4: {  	s25 =	simm.s32 $0x1B8E;
	s24 =	sld [smem:$0x3FFE];
	[sflag:s23] =	ssyncadd.s32 $0xFFFFFFFF  }
0xa5: {  	s26 =	simm.s32 $execute0_lowered;
	[smem:$0x3FD2] =	sst s25  }
0xa6: {  	s4 =	sshll.u32 s26, $0x1;
	_ =	strace $0x80000046;
	[dreg:$0x1] =	wrdreg $0xFFFFFFFF  }
0xa7: {  	s28 =	simm.s32 $_size_execute0_lowered;
	s2 =	sadd.s32 s2, s4;
	[dreg:$0x0] =	wrdreg $0x0  }
0xa8: {  	s4 =	sshll.u32 s28, $0x1;
	[dreg:$0x2] =	wrdreg s2  }
0xa9: {  	[dreg:$0x3] =	wrdreg s4  }
0xaa: {  	[dreg:$0x4] =	wrdreg $0xC0  }
0xab: {  	_ =	task [dreg:s6], $0x5FFFF  }
0xac: {  	[dreg:$0x1] =	wrdreg $0xFFFFFFFF  }
0xad: {  	[dreg:$0x0] =	wrdreg $0x60  }
0xae: {  	[dreg:$0x2] =	wrdreg s24  }
0xaf: {  	[dreg:$0x3] =	wrdreg $0x62800  }
0xb0: {  	[dreg:$0x4] =	wrdreg $0x9  }
0xb1: {  	_ =	task.clear_ibuf [dreg:s6], $0x5FFFF;
	_ =	strace $0x90000046  }
0xb2: {  	s29 =	simm.s32 $0x9;
	_ =	strace $0x80000048  }
0xb3: {  	_ =	swait.ge [sflag:s29], $0x1  }
0xb4: {  	[sflag:s29] =	ssyncadd.s32 $0xFFFFFFFF  }
0xb5: {  	_ =	strace $0x90000048  }
0xb6: {  	_ =	sfence  }
0xb7: {  	s30 =	sld [smem:$0x0];
	_ =	sdelay $0x2  }
0xb8: {  	s31 =	sshll.u32 s1, $0xD;
	s1 =	sshrl.u32 s1, $0x2  }
0xb9: {  	s3 =	sand.u32 $0x4000, s31;
	s1 =	sadd.s32 s1, s30  }
0xba: {  	s0 =	sor.u32 s3, s0;
	s1 =	sshll.u32 s1, $0x11  }
0xbb: {  	s0 =	sor.u32 s1, s0  }
0xbc: {  	s0 =	sadd.s32 $0x8F2B, s0  }
0xbd: {  	[sflag:s0] =	ssyncadd.remote.s32 $0x1  }
0xbe: {  	_ =	sfence.sel $0xFFFF  }
0xbf: {  	[dreg:$0x0] =	wrdreg $0xFFFFFFFF;
	(pc) =	sbr.abs _section_cstart, $3  }
0xc0: {  	[dreg:$0x1] =	wrdreg $0xFFFFFFFF  }
0xc1: {  	_ =	task.clear_ibuf [dreg:s6], $0x2FFFF;
	_ =	strace $0x9FFFFFFF  }
0xc2: {  	(tm) =	ssettm $0x7FFFFFFF  }
0xc3: {  	_ =	shalt  }
tec
execute0_lowered:
.L_overlay_start_1:
0x0: {  	(tag) =	ssettag $0x1  }
0x1: {  	s0 =	srdreg.scid;
	s5 =	rddreg [dreg:$0x0]  }
0x2: {  	s2 =	rddreg [dreg:$0x1];
	s3 =	simm.s32 $0x0;
	s12 =	simm.s32 $0x6200  }
0x3: {  	s13 =	simm.s32 $0x0;
	s4 =	sand.u32 $0x1, s0;
	s0 =	stileid.u32  }
0x4: {  	[smem:$0x7FF] =	sst s3;
	s1 =	sshll.u32 s4, $0x4;
	s7 =	smul.u32 $0xC40, s0  }
0x5: {  	s8 =	smul.u32 $0xC400, s4;
	s4 =	ssub.s32 $0x2, s4;
	s1 =	sor.u32 s0, s1  }
0x6: {  	s31 =	sshll.u32 s0, $0x6;
	s10 =	sshrl.u32 s4, $0x1;
	s6 =	smul.u32 $0xC40, s1  }
0x7: {  	s1 =	rddreg [dreg:$0x2];
	_ =	strace $0x80000047;
	s8 =	sadd.s32 s7, s8  }
0x8: {  	s9 =	sshrl.u32 s7, $0x3;
	s10 =	ssub.s32 s4, s10;
	s11 =	sadd.s32 s7, s2  }
0x9: {  	s8 =	sshrl.u32 s8, $0x3;
	s9 =	sadd.s32 s9, s5;
	s6 =	sadd.s32 s6, s5  }
0xa: {  	s8 =	sadd.s32 s8, s5;
	s4 =	sadd.s32 $0x1A400, s9;
	s5 =	sor.u32 $0x1C01, s31  }
0xb: {  	s9 =	sshrl.u32 s11, $0x3;
	s11 =	simm.s32 $0x80;
	s6 =	sadd.s32 $0x1C00, s6  }
0xc: {  	v0 =	vimm.f32 $1.000000000e+00;
	s7 =	sadd.s32 $0x1BE00, s8;
	s8 =	smax.u32 s10, $0x1;
	s10 =	simm.s32 $0x1  }
.LBB2_1:
0xd: {  	[spmem:s9], [sflag:s5] =	dma.local [hbm:s4], $0x188  }
0xe: {  	_ =	swait.ge [sflag:s10], $0x188  }
0xf: {  	[sflag:s10] =	ssyncset.done $0x0  }
0x10: {  	[sflag:s10] =	ssyncadd.s32 $0xFFFFFE78  }
0x11: {  	[tilespmem:$0x6200] =	vst v0  }
0x12: {  	[tilespmem:$0x6210] =	vst v0  }
0x13: {  	[tilespmem:$0x6220] =	vst v0  }
0x14: {  	[tilespmem:$0x6230] =	vst v0  }
0x15: {  	[tilespmem:$0x6240] =	vst v0  }
0x16: {  	[tilespmem:$0x6250] =	vst v0  }
0x17: {  	[tilespmem:$0x6260] =	vst v0  }
0x18: {  	[tilespmem:$0x6270] =	vst v0  }
0x19: {  	[tilespmem:s3], [sflag:$0x1] =	stream.linear.gather [hbm4b:s6+s3], $0x6200, $0x38;
	[tilespmem:$0x6EC0] =	vst v63  }
0x1a: {  	_ =	swait.ge [sflag:s10], $0x6200  }
0x1b: {  	[sflag:s10] =	ssyncset.done $0x0  }
0x1c: {  	[sflag:s10] =	ssyncadd.s32 $0xFFFF9E00  }
0x1d: {  	s14 =	simm.s32 $0x0;
	[bflag:$0x0] =	sbarrier.arrive $0xFFFF  }
0x1e: {  	[spmem:s2] =	stream.indirect.scatter.add.f32 [tilespmem:s12], [sflag:$0x1], $0x1, s14, s11, $0xb8;
	[tilespmem:$0x6EC0] =	vst v63  }
0x1f: {  	_ =	swait.ge [sflag:s10], $0x80  }
0x20: {  	s14 =	simm.s32 $0x200;
	[sflag:s10] =	ssyncset.done $0x0  }
.LBB2_2:
0x21: {  	s15 =	sshra.s32 s14, $0x2;
	[sflag:s10] =	ssyncadd.s32 $0xFFFFFF80;
	p0 =	sne.s32 s14, $0x18600  }
0x22: {  	[spmem:s2] =	stream.indirect.scatter.add.f32 [tilespmem:s12], [sflag:$0x1], $0x1, s15, s11, $0xb8;
	[tilespmem:$0x6EC0] =	vst v63  }
.Ltmp0:
0x23: {  	_ = 	snop;
	(pc) =	sbr.rel @p0 .LBB2_2-.Ltmp0, $4  }
0x24: {  	_ = 	snop  }
0x25: {  	s14 =	sadd.s32 $0x200, s14  }
0x26: {  	_ =	swait.ge [sflag:s10], $0x80  }
0x27: {  	[sflag:s10] =	ssyncset.done $0x0  }
0x28: {  	s13 =	sadd.s32 $0x1, s13  }
0x29: {  	[sflag:s10] =	ssyncadd.s32 $0xFFFFFF80;
	p0 =	sne.s32 s13, s8  }
.Ltmp1:
0x2a: {  	[bflag:$0x0] =	sbarrier.arrive $0xFFFF;
	(pc) =	sbr.rel @p0 .LBB2_1-.Ltmp1, $4  }
0x2b: {  	[hbm:s7], [sflag:s5] =	dma.local [spmem:s9], $0x188  }
0x2c: {  	_ =	swait.ge [sflag:s10], $0x188  }
0x2d: {  	[sflag:s10] =	ssyncset.done $0x0  }
0x2e: {  	[sflag:s10] =	ssyncadd.s32 $0xFFFFFE78  }
0x2f: {  	_ =	sfence.sel $0x180000  }
0x30: {  	[bflag:$0x0] =	sbarrier.arrive $0xFFFF  }
0x31: {  	p0 =	sne.s32 s0, $0x0;
	_ =	strace $0x90000047  }
0x32: {  	s0 =	sadd.s32 @!p0 $0x100000, s1;
	[bflag:$0x2] =	sbarrier.arrive $0xFFFF  }
0x33: {  	[sflag:s0] =	ssyncadd.tile.s32 @!p0 $0x1;
	_ =	shalt  }
.Lfunc_end2:
_tile_overlayer_lowered:
.L_overlay_start_2:
0x34: {  	(tag) =	ssettag $0x2  }
0x35: {  	s0 =	rddreg [dreg:$0x0];
	s2 =	stileid.u32  }
0x36: {  	s1 =	rddreg [dreg:$0x1];
	p0 =	sne.s32 s2, $0x0  }
0x37: {  	s3 =	rddreg [dreg:$0x2];
	[bflag:$0x3] =	sbarrier.arrive $0xFFFF;
	s2 =	simm.s32 @!p0 $0x1C01  }
0x38: {  	[timem:s3], [sflag:s2] =	dma.local @!p0 [hbm:s0], s1  }
0x39: {  	s0 =	simm.s32 @!p0 $0x1  }
0x3a: {  	_ =	swait.ge @!p0 [sflag:s0], s1  }
0x3b: {  	s1 =	ssub.s32 @!p0 $0x0, s1;
	[sflag:s0] =	ssyncset.done @!p0 $0x0  }
0x3c: {  	[sflag:s0] =	ssyncadd.s32 @!p0 s1  }
0x3d: {  	[bflag:$0x3] =	sbarrier.arrive $0xFFFF  }
0x3e: {  	_ =	shalt  }

</sc_bundles>
